<compile_context>
chip_gen: v7x
topology: tpu7x:2x2x1
jax: 0.10.2.dev20260603
libtpu: 0.0.44.dev20260713+nightly
codegen_flags: <defaults>
</compile_context>

<pallas_src>
import functools

import jax
import jax.numpy as jnp
from jax import lax
from jax.experimental import pallas as pl
from jax.experimental.pallas import tpu as pltpu
from jax.experimental.pallas import tpu_sc as plsc

F32 = jnp.float32

NC = 2
NS = 16
NW = NC * NS
CHUNK = 128
DEG_W = 16
NBUF = 2


def _pad_rows(n):
    per_tile = -(-n // (NS * CHUNK)) * CHUNK
    return NS * per_tile, per_tile



def _sc_deg(n_nodes, tot_ch):
    rows, per_tile = _pad_rows(n_nodes + 1)
    nblk = per_tile // CHUNK
    kd = tot_ch // NW
    mesh = plsc.VectorSubcoreMesh(core_axis_name="c", subcore_axis_name="s")

    @functools.partial(
        pl.kernel, mesh=mesh,
        out_type=jax.ShapeDtypeStruct((NC, rows, DEG_W), F32),
        scratch_types=[
            pltpu.VMEM((kd, CHUNK), jnp.int32),
            pltpu.VMEM((CHUNK, DEG_W), F32),
            pltpu.VMEM_SHARED((rows, DEG_W), F32),
        ],
    )
    def deg_kernel(dst_hbm, out_hbm, dst_v, ones_v, acc):
        c = lax.axis_index("c")
        s = lax.axis_index("s")

        def zero_row(i, _):
            ones_v[i, :] = jnp.zeros((DEG_W,), F32)
            return 0
        lax.fori_loop(0, CHUNK, zero_row, 0)
        for b in range(nblk):
            pltpu.sync_copy(ones_v, acc.at[pl.ds(s * per_tile + b * CHUNK, CHUNK)])

        def fill(i, _):
            ones_v[i, :] = jnp.ones((DEG_W,), F32)
            return 0
        lax.fori_loop(0, CHUNK, fill, 0)

        pltpu.sync_copy(dst_hbm.at[c, s], dst_v)
        plsc.subcore_barrier()

        def body(j, _):
            pltpu.sync_copy(ones_v, acc.at[dst_v.at[j]], add=True)
            return 0
        lax.fori_loop(0, kd, body, 0)

        plsc.subcore_barrier()
        pltpu.sync_copy(acc.at[pl.ds(s * per_tile, per_tile)],
                        out_hbm.at[c, pl.ds(s * per_tile, per_tile)])

    return deg_kernel


def _sc_agg(n_nodes, d_gather, d_scat, tot_ch):
    kd = tot_ch // NW
    rows, per_tile = _pad_rows(n_nodes + 1)
    nblk = per_tile // CHUNK
    mesh = plsc.VectorSubcoreMesh(core_axis_name="c", subcore_axis_name="s")

    def _scat_src(buf):
        return buf if d_scat == d_gather else buf.at[:, pl.ds(0, d_scat)]

    @functools.partial(
        pl.kernel, mesh=mesh,
        out_type=jax.ShapeDtypeStruct((NC, rows, d_scat), F32),
        scratch_types=[
            pltpu.VMEM((kd, CHUNK), jnp.int32),
            pltpu.VMEM((kd, CHUNK), jnp.int32),
            pltpu.VMEM((CHUNK, d_gather), F32),
            pltpu.VMEM_SHARED((rows, d_scat), F32),
            pltpu.SemaphoreType.DMA,
        ],
    )
    def agg_kernel(y_hbm, src_hbm, dst_hbm, out_hbm,
                   src_v, dst_v, rows_v, acc, sem):
        c = lax.axis_index("c")
        s = lax.axis_index("s")

        def zero_row(i, _):
            for cc in range(d_gather // 16):
                rows_v[i, pl.ds(cc * 16, 16)] = jnp.zeros((16,), F32)
            return 0
        lax.fori_loop(0, CHUNK, zero_row, 0)
        for b in range(nblk):
            pltpu.sync_copy(_scat_src(rows_v),
                            acc.at[pl.ds(s * per_tile + b * CHUNK, CHUNK)])

        pltpu.sync_copy(src_hbm.at[c, s], src_v)
        pltpu.sync_copy(dst_hbm.at[c, s], dst_v)
        plsc.subcore_barrier()

        def body(j, _):
            pltpu.async_copy(y_hbm.at[src_v.at[j]], rows_v, sem).wait()
            pltpu.sync_copy(_scat_src(rows_v), acc.at[dst_v.at[j]], add=True)
            return 0
        lax.fori_loop(0, kd, body, 0)
        plsc.subcore_barrier()
        pltpu.sync_copy(acc.at[pl.ds(s * per_tile, per_tile)],
                        out_hbm.at[c, pl.ds(s * per_tile, per_tile)])

    return agg_kernel



_SELU_ALPHA = 1.6732632423543772
_SELU_SCALE = 1.0507009873554805


def _dinv_from_deg(degp_ref):
    deg = degp_ref[0, :, 0:1] + degp_ref[1, :, 0:1] + 1.0
    return lax.rsqrt(deg)


def _tc_y1_body(degp_ref, x_ref, w1_ref, y1_ref):
    dinv = _dinv_from_deg(degp_ref)
    xw = jnp.dot(x_ref[...], w1_ref[...], preferred_element_type=F32)
    y1_ref[...] = dinv * xw


def _tc_mid_body(degp_ref, aggp_ref, y1_ref, b1_ref, w2_ref, y2_ref):
    dinv = _dinv_from_deg(degp_ref)
    su = aggp_ref[0] + aggp_ref[1] + y1_ref[...]
    pre = dinv * su + b1_ref[...][None, :]
    h = _SELU_SCALE * jnp.where(pre > 0, pre, _SELU_ALPHA * (jnp.exp(pre) - 1.0))
    y2 = dinv * jnp.dot(h, w2_ref[...], preferred_element_type=F32)
    y2_ref[...] = jnp.concatenate([y2, jnp.zeros_like(y2)], axis=1)


def _tc_out_body(degp_ref, aggp_ref, y2_ref, b2_ref, o_ref):
    dinv = _dinv_from_deg(degp_ref)
    o_dim = o_ref.shape[1]
    z = (dinv * (aggp_ref[0, :, :o_dim] + aggp_ref[1, :, :o_dim]
                 + y2_ref[:, :o_dim]) + b2_ref[...][None, :])
    m = jnp.max(z, axis=1, keepdims=True)
    e = jnp.exp(z - m)
    o_ref[...] = e / jnp.sum(e, axis=1, keepdims=True)



def kernel(x, edge_index, W1, b1, W2, b2):
    n, d_in = x.shape
    h_dim = W1.shape[1]
    o_dim = W2.shape[1]
    e = edge_index.shape[1]

    tot_ch = -(-(-(-e // CHUNK)) // NW) * NW
    e_pad = tot_ch * CHUNK
    rows, _ = _pad_rows(n + 1)
    src = jnp.concatenate(
        [edge_index[0], jnp.zeros((e_pad - e,), jnp.int32)]).reshape(
            NC, NS, tot_ch // NW, CHUNK)
    pad_dst = n + jnp.arange(e_pad - e, dtype=jnp.int32) % (rows - n)
    dst = jnp.concatenate([edge_index[1], pad_dst]).reshape(
        NC, NS, tot_ch // NW, CHUNK)

    degp = _sc_deg(n, tot_ch)(dst)
    agg_fn = _sc_agg(n, h_dim, h_dim, tot_ch)

    rblk = 2000
    grid = (n // rblk,)
    degp_spec = pl.BlockSpec((NC, rblk, DEG_W), lambda i: (0, i, 0))
    aggp_spec = lambda d: pl.BlockSpec((NC, rblk, d), lambda i: (0, i, 0))
    full = lambda *shape: pl.BlockSpec(shape, lambda i: (0,) * len(shape))

    y1 = pl.pallas_call(
        _tc_y1_body,
        grid=grid,
        in_specs=[degp_spec,
                  pl.BlockSpec((rblk, d_in), lambda i: (i, 0)),
                  full(d_in, h_dim)],
        out_specs=pl.BlockSpec((rblk, h_dim), lambda i: (i, 0)),
        out_shape=jax.ShapeDtypeStruct((n, h_dim), F32),
    )(degp, x, W1)

    agg1p = agg_fn(y1, src, dst)

    p2 = 2 * o_dim
    y2 = pl.pallas_call(
        _tc_mid_body,
        grid=grid,
        in_specs=[degp_spec, aggp_spec(h_dim),
                  pl.BlockSpec((rblk, h_dim), lambda i: (i, 0)),
                  full(h_dim), full(h_dim, o_dim)],
        out_specs=pl.BlockSpec((rblk, p2), lambda i: (i, 0)),
        out_shape=jax.ShapeDtypeStruct((n, p2), F32),
    )(degp, agg1p, y1, b1, W2)

    agg2p = agg_fn(y2, src, dst)

    out = pl.pallas_call(
        _tc_out_body,
        grid=grid,
        in_specs=[degp_spec, aggp_spec(p2),
                  pl.BlockSpec((rblk, p2), lambda i: (i, 0)),
                  full(o_dim)],
        out_specs=pl.BlockSpec((rblk, o_dim), lambda i: (i, 0)),
        out_shape=jax.ShapeDtypeStruct((n, o_dim), F32),
    )(degp, agg2p, y2, b2)

    return out

# --- scband reference (transcript-rebuilt; emitter-appended) ---
"""Pipeline reference for scband-tsi-model-56994216018169 (READ-ONLY COPY).

The authoritative reference and input builder live on the scoring server;
editing this copy changes nothing except your own understanding.
"""

import jax, jax.numpy as jnp
import numpy as np

N = 10000
E = 320000
IN = 128   # FLAGS.nr_servers * 2 with nr_servers = 64
H = 128    # hidden_channels
OUT = 64   # FLAGS.nr_servers


def setup_inputs(seed: int = 0) -> dict:
    key = jax.random.key(seed)
    k1, k2, k3, k4, k5, k6 = jax.random.split(key, 6)
    x = jax.random.normal(k1, (N, IN), dtype=jnp.float32)
    edge_index = jax.random.randint(k2, (2, E), 0, N, dtype=jnp.int32)
    # GCNConv weights (glorot-style init) and biases
    W1 = jax.random.normal(k3, (IN, H), dtype=jnp.float32) * (1.0 / np.sqrt(IN))
    b1 = jnp.zeros((H,), dtype=jnp.float32)
    W2 = jax.random.normal(k4, (H, OUT), dtype=jnp.float32) * (1.0 / np.sqrt(H))
    b2 = jnp.zeros((OUT,), dtype=jnp.float32)
    return {"x": x, "edge_index": edge_index, "W1": W1, "b1": b1, "W2": W2, "b2": b2}


def _gcn_conv(x, src, dst, W, b, n):
    # GCNConv: add self-loops, symmetric normalization D^-1/2 (A+I) D^-1/2, sum aggregation
    loop = jnp.arange(n, dtype=src.dtype)
    s = jnp.concatenate([src, loop])
    d = jnp.concatenate([dst, loop])
    deg = jax.ops.segment_sum(jnp.ones_like(s, dtype=x.dtype), d, num_segments=n)
    deg_inv_sqrt = jnp.where(deg > 0, 1.0 / jnp.sqrt(deg), 0.0)
    norm = deg_inv_sqrt[s] * deg_inv_sqrt[d]
    xw = x @ W
    msg = xw[s] * norm[:, None]
    out = jax.ops.segment_sum(msg, d, num_segments=n)
    return out + b


def reference(x, edge_index, W1, b1, W2, b2):
    src = edge_index[0]
    dst = edge_index[1]
    h = _gcn_conv(x, src, dst, W1, b1, N)
    h = jax.nn.selu(h)
    # dropout p=0.5 is identity in eval mode (training=False)
    h = _gcn_conv(h, src, dst, W2, b2, N)
    return jax.nn.softmax(h, axis=1)

if __name__ == "__main__":
    import jax
    _d = setup_inputs()
    print(jax.jit(kernel)(*tuple(_d.values())))

</pallas_src>

<mosaic_0001>
#map = affine_map<(d0, d1) -> (0, 0, 0, 0)>
#map1 = affine_map<(d0, d1) -> (0, 0, 0)>
module attributes {stable_mosaic.version = 14 : i64} {
  func.func @deg_kernel(%arg0: i32, %arg1: i32, %arg2: memref<2x16x79x128xi32, #tpu.memory_space<hbm>>, %arg3: memref<2x10240x16xf32, #tpu.memory_space<hbm>>, %arg4: memref<79x128xi32, #tpu.memory_space<vmem>>, %arg5: memref<128x16xf32, #tpu.memory_space<vmem>>, %arg6: memref<10240x16xf32, #tpu.memory_space<vmem_shared>>) attributes {dimension_semantics = [#tpu.dimension_semantics<core_parallel>, #tpu.dimension_semantics<subcore_parallel>], iteration_bounds = array<i64: 2, 16>, scalar_prefetch = 0 : i64, scratch_operands = 3 : i64, tpu.core_type = #tpu.core_type<sc_vector_subcore>, window_params = [{transform_indices = #map}, {transform_indices = #map1}]} {
    %scan3A = arith.constant 0 : i32
    %scan3A_0 = arith.constant 0 : i32
    %scan3A_1 = arith.constant 128 : i32
    %scan3A_2 = arith.addi %scan3A_0, %scan3A_1 : i32
    %scan3A_3 = arith.constant 1 : i32
    %scan3A_4 = scf.for %scan3A_43 = %scan3A_0 to %scan3A_2 step %scan3A_3 iter_args(%scan3A_44 = %scan3A) -> (i32)  : i32 {
      %broadcast_in_dim3A = arith.constant 0.000000e+00 : f32
      %broadcast_in_dim3A_45 = vector.broadcast %broadcast_in_dim3A : f32 to vector<16xf32>
      %swap3A = arith.index_cast %scan3A_43 : i32 to index
      %swap3A_46 = arith.constant 0 : index
      %swap3A_47 = tpu.vector_load %arg5[%swap3A, %swap3A_46] {strides = array<i32>} : memref<128x16xf32, #tpu.memory_space<vmem>>, vector<1x16xf32>,
      %swap3A_48 = vector.shape_cast %swap3A_47 : vector<1x16xf32> to vector<16xf32>
      %swap3A_49 = vector.shape_cast %broadcast_in_dim3A_45 : vector<16xf32> to vector<1x16xf32>
      tpu.vector_store %arg5[%swap3A, %swap3A_46], %swap3A_49 {strides = array<i32>} : memref<128x16xf32, #tpu.memory_space<vmem>>, vector<1x16xf32>,
      %scan3A_50 = arith.constant 0 : i32
      scf.yield %scan3A_50 : i32
    }
    %scan3A_5 = arith.constant 128 : i32
    %mul3A = arith.constant 640 : i32
    %mul3A_6 = arith.muli %arg1, %mul3A : i32
    %add3A = arith.constant 0 : i32
    %add3A_7 = arith.addi %mul3A_6, %add3A : i32
    "tpu.region"() ({
      %run_scoped3A = tpu.sem_alloc : memref<!tpu.dma_semaphore, #tpu.memory_space<semaphore_mem>>
      %dma_start3A = arith.constant 0 : i32
      %dma_start3A_43 = tpu.memref_slice %arg6[%add3A_7, %dma_start3A] : memref<10240x16xf32, #tpu.memory_space<vmem_shared>> -> memref<128x16xf32, #tpu.memory_space<vmem_shared>>
      %dma_start3A_44 = arith.constant 0 : i32
      %dma_start3A_45 = tpu.memref_slice %arg6[%add3A_7, %dma_start3A_44] : memref<10240x16xf32, #tpu.memory_space<vmem_shared>> -> memref<128x16xf32, #tpu.memory_space<vmem_shared>>
      tpu.enqueue_dma source(%arg5 : memref<128x16xf32, #tpu.memory_space<vmem>>) target(%dma_start3A_45 : memref<128x16xf32, #tpu.memory_space<vmem_shared>>) target_semaphore(%run_scoped3A : memref<!tpu.dma_semaphore, #tpu.memory_space<semaphore_mem>>)
      %dma_wait3A = arith.constant 0 : i32
      %dma_wait3A_46 = tpu.memref_slice %arg6[%add3A_7, %dma_wait3A] : memref<10240x16xf32, #tpu.memory_space<vmem_shared>> -> memref<128x16xf32, #tpu.memory_space<vmem_shared>>
      %dma_wait3A_47 = arith.constant 0 : i32
      %dma_wait3A_48 = tpu.memref_slice %arg6[%add3A_7, %dma_wait3A_47] : memref<10240x16xf32, #tpu.memory_space<vmem_shared>> -> memref<128x16xf32, #tpu.memory_space<vmem_shared>>
      tpu.wait_dma2 semaphore(%run_scoped3A : memref<!tpu.dma_semaphore, #tpu.memory_space<semaphore_mem>>) src(%arg5 : memref<128x16xf32, #tpu.memory_space<vmem>>) dst(%dma_wait3A_48 : memref<128x16xf32, #tpu.memory_space<vmem_shared>>)
      tpu.yield
    }) : () -> ()
    %mul3A_8 = arith.constant 640 : i32
    %mul3A_9 = arith.muli %arg1, %mul3A_8 : i32
    %add3A_10 = arith.constant 128 : i32
    %add3A_11 = arith.addi %mul3A_9, %add3A_10 : i32
    "tpu.region"() ({
      %run_scoped3A = tpu.sem_alloc : memref<!tpu.dma_semaphore, #tpu.memory_space<semaphore_mem>>
      %dma_start3A = arith.constant 0 : i32
      %dma_start3A_43 = tpu.memref_slice %arg6[%add3A_11, %dma_start3A] : memref<10240x16xf32, #tpu.memory_space<vmem_shared>> -> memref<128x16xf32, #tpu.memory_space<vmem_shared>>
      %dma_start3A_44 = arith.constant 0 : i32
      %dma_start3A_45 = tpu.memref_slice %arg6[%add3A_11, %dma_start3A_44] : memref<10240x16xf32, #tpu.memory_space<vmem_shared>> -> memref<128x16xf32, #tpu.memory_space<vmem_shared>>
      tpu.enqueue_dma source(%arg5 : memref<128x16xf32, #tpu.memory_space<vmem>>) target(%dma_start3A_45 : memref<128x16xf32, #tpu.memory_space<vmem_shared>>) target_semaphore(%run_scoped3A : memref<!tpu.dma_semaphore, #tpu.memory_space<semaphore_mem>>)
      %dma_wait3A = arith.constant 0 : i32
      %dma_wait3A_46 = tpu.memref_slice %arg6[%add3A_11, %dma_wait3A] : memref<10240x16xf32, #tpu.memory_space<vmem_shared>> -> memref<128x16xf32, #tpu.memory_space<vmem_shared>>
      %dma_wait3A_47 = arith.constant 0 : i32
      %dma_wait3A_48 = tpu.memref_slice %arg6[%add3A_11, %dma_wait3A_47] : memref<10240x16xf32, #tpu.memory_space<vmem_shared>> -> memref<128x16xf32, #tpu.memory_space<vmem_shared>>
      tpu.wait_dma2 semaphore(%run_scoped3A : memref<!tpu.dma_semaphore, #tpu.memory_space<semaphore_mem>>) src(%arg5 : memref<128x16xf32, #tpu.memory_space<vmem>>) dst(%dma_wait3A_48 : memref<128x16xf32, #tpu.memory_space<vmem_shared>>)
      tpu.yield
    }) : () -> ()
    %mul3A_12 = arith.constant 640 : i32
    %mul3A_13 = arith.muli %arg1, %mul3A_12 : i32
    %add3A_14 = arith.constant 256 : i32
    %add3A_15 = arith.addi %mul3A_13, %add3A_14 : i32
    "tpu.region"() ({
      %run_scoped3A = tpu.sem_alloc : memref<!tpu.dma_semaphore, #tpu.memory_space<semaphore_mem>>
      %dma_start3A = arith.constant 0 : i32
      %dma_start3A_43 = tpu.memref_slice %arg6[%add3A_15, %dma_start3A] : memref<10240x16xf32, #tpu.memory_space<vmem_shared>> -> memref<128x16xf32, #tpu.memory_space<vmem_shared>>
      %dma_start3A_44 = arith.constant 0 : i32
      %dma_start3A_45 = tpu.memref_slice %arg6[%add3A_15, %dma_start3A_44] : memref<10240x16xf32, #tpu.memory_space<vmem_shared>> -> memref<128x16xf32, #tpu.memory_space<vmem_shared>>
      tpu.enqueue_dma source(%arg5 : memref<128x16xf32, #tpu.memory_space<vmem>>) target(%dma_start3A_45 : memref<128x16xf32, #tpu.memory_space<vmem_shared>>) target_semaphore(%run_scoped3A : memref<!tpu.dma_semaphore, #tpu.memory_space<semaphore_mem>>)
      %dma_wait3A = arith.constant 0 : i32
      %dma_wait3A_46 = tpu.memref_slice %arg6[%add3A_15, %dma_wait3A] : memref<10240x16xf32, #tpu.memory_space<vmem_shared>> -> memref<128x16xf32, #tpu.memory_space<vmem_shared>>
      %dma_wait3A_47 = arith.constant 0 : i32
      %dma_wait3A_48 = tpu.memref_slice %arg6[%add3A_15, %dma_wait3A_47] : memref<10240x16xf32, #tpu.memory_space<vmem_shared>> -> memref<128x16xf32, #tpu.memory_space<vmem_shared>>
      tpu.wait_dma2 semaphore(%run_scoped3A : memref<!tpu.dma_semaphore, #tpu.memory_space<semaphore_mem>>) src(%arg5 : memref<128x16xf32, #tpu.memory_space<vmem>>) dst(%dma_wait3A_48 : memref<128x16xf32, #tpu.memory_space<vmem_shared>>)
      tpu.yield
    }) : () -> ()
    %mul3A_16 = arith.constant 640 : i32
    %mul3A_17 = arith.muli %arg1, %mul3A_16 : i32
    %add3A_18 = arith.constant 384 : i32
    %add3A_19 = arith.addi %mul3A_17, %add3A_18 : i32
    "tpu.region"() ({
      %run_scoped3A = tpu.sem_alloc : memref<!tpu.dma_semaphore, #tpu.memory_space<semaphore_mem>>
      %dma_start3A = arith.constant 0 : i32
      %dma_start3A_43 = tpu.memref_slice %arg6[%add3A_19, %dma_start3A] : memref<10240x16xf32, #tpu.memory_space<vmem_shared>> -> memref<128x16xf32, #tpu.memory_space<vmem_shared>>
      %dma_start3A_44 = arith.constant 0 : i32
      %dma_start3A_45 = tpu.memref_slice %arg6[%add3A_19, %dma_start3A_44] : memref<10240x16xf32, #tpu.memory_space<vmem_shared>> -> memref<128x16xf32, #tpu.memory_space<vmem_shared>>
      tpu.enqueue_dma source(%arg5 : memref<128x16xf32, #tpu.memory_space<vmem>>) target(%dma_start3A_45 : memref<128x16xf32, #tpu.memory_space<vmem_shared>>) target_semaphore(%run_scoped3A : memref<!tpu.dma_semaphore, #tpu.memory_space<semaphore_mem>>)
      %dma_wait3A = arith.constant 0 : i32
      %dma_wait3A_46 = tpu.memref_slice %arg6[%add3A_19, %dma_wait3A] : memref<10240x16xf32, #tpu.memory_space<vmem_shared>> -> memref<128x16xf32, #tpu.memory_space<vmem_shared>>
      %dma_wait3A_47 = arith.constant 0 : i32
      %dma_wait3A_48 = tpu.memref_slice %arg6[%add3A_19, %dma_wait3A_47] : memref<10240x16xf32, #tpu.memory_space<vmem_shared>> -> memref<128x16xf32, #tpu.memory_space<vmem_shared>>
      tpu.wait_dma2 semaphore(%run_scoped3A : memref<!tpu.dma_semaphore, #tpu.memory_space<semaphore_mem>>) src(%arg5 : memref<128x16xf32, #tpu.memory_space<vmem>>) dst(%dma_wait3A_48 : memref<128x16xf32, #tpu.memory_space<vmem_shared>>)
      tpu.yield
    }) : () -> ()
    %mul3A_20 = arith.constant 640 : i32
    %mul3A_21 = arith.muli %arg1, %mul3A_20 : i32
    %add3A_22 = arith.constant 512 : i32
    %add3A_23 = arith.addi %mul3A_21, %add3A_22 : i32
    "tpu.region"() ({
      %run_scoped3A = tpu.sem_alloc : memref<!tpu.dma_semaphore, #tpu.memory_space<semaphore_mem>>
      %dma_start3A = arith.constant 0 : i32
      %dma_start3A_43 = tpu.memref_slice %arg6[%add3A_23, %dma_start3A] : memref<10240x16xf32, #tpu.memory_space<vmem_shared>> -> memref<128x16xf32, #tpu.memory_space<vmem_shared>>
      %dma_start3A_44 = arith.constant 0 : i32
      %dma_start3A_45 = tpu.memref_slice %arg6[%add3A_23, %dma_start3A_44] : memref<10240x16xf32, #tpu.memory_space<vmem_shared>> -> memref<128x16xf32, #tpu.memory_space<vmem_shared>>
      tpu.enqueue_dma source(%arg5 : memref<128x16xf32, #tpu.memory_space<vmem>>) target(%dma_start3A_45 : memref<128x16xf32, #tpu.memory_space<vmem_shared>>) target_semaphore(%run_scoped3A : memref<!tpu.dma_semaphore, #tpu.memory_space<semaphore_mem>>)
      %dma_wait3A = arith.constant 0 : i32
      %dma_wait3A_46 = tpu.memref_slice %arg6[%add3A_23, %dma_wait3A] : memref<10240x16xf32, #tpu.memory_space<vmem_shared>> -> memref<128x16xf32, #tpu.memory_space<vmem_shared>>
      %dma_wait3A_47 = arith.constant 0 : i32
      %dma_wait3A_48 = tpu.memref_slice %arg6[%add3A_23, %dma_wait3A_47] : memref<10240x16xf32, #tpu.memory_space<vmem_shared>> -> memref<128x16xf32, #tpu.memory_space<vmem_shared>>
      tpu.wait_dma2 semaphore(%run_scoped3A : memref<!tpu.dma_semaphore, #tpu.memory_space<semaphore_mem>>) src(%arg5 : memref<128x16xf32, #tpu.memory_space<vmem>>) dst(%dma_wait3A_48 : memref<128x16xf32, #tpu.memory_space<vmem_shared>>)
      tpu.yield
    }) : () -> ()
    %scan3A_24 = arith.constant 0 : i32
    %scan3A_25 = arith.constant 0 : i32
    %scan3A_26 = arith.constant 128 : i32
    %scan3A_27 = arith.addi %scan3A_25, %scan3A_26 : i32
    %scan3A_28 = arith.constant 1 : i32
    %scan3A_29 = scf.for %scan3A_43 = %scan3A_25 to %scan3A_27 step %scan3A_28 iter_args(%scan3A_44 = %scan3A_24) -> (i32)  : i32 {
      %broadcast_in_dim3A = arith.constant 1.000000e+00 : f32
      %broadcast_in_dim3A_45 = vector.broadcast %broadcast_in_dim3A : f32 to vector<16xf32>
      %swap3A = arith.index_cast %scan3A_43 : i32 to index
      %swap3A_46 = arith.constant 0 : index
      %swap3A_47 = tpu.vector_load %arg5[%swap3A, %swap3A_46] {strides = array<i32>} : memref<128x16xf32, #tpu.memory_space<vmem>>, vector<1x16xf32>,
      %swap3A_48 = vector.shape_cast %swap3A_47 : vector<1x16xf32> to vector<16xf32>
      %swap3A_49 = vector.shape_cast %broadcast_in_dim3A_45 : vector<16xf32> to vector<1x16xf32>
      tpu.vector_store %arg5[%swap3A, %swap3A_46], %swap3A_49 {strides = array<i32>} : memref<128x16xf32, #tpu.memory_space<vmem>>, vector<1x16xf32>,
      %scan3A_50 = arith.constant 0 : i32
      scf.yield %scan3A_50 : i32
    }
    %scan3A_30 = arith.constant 128 : i32
    "tpu.region"() ({
      %run_scoped3A = tpu.sem_alloc : memref<!tpu.dma_semaphore, #tpu.memory_space<semaphore_mem>>
      %dma_start3A = arith.constant 0 : i32
      %dma_start3A_43 = arith.constant 0 : i32
      %dma_start3A_44 = tpu.memref_slice %arg2[%arg0, %arg1, %dma_start3A, %dma_start3A_43] : memref<2x16x79x128xi32, #tpu.memory_space<hbm>> -> memref<1x1x79x128xi32, #tpu.memory_space<hbm>>
      %dma_start3A_45 = tpu.memref_squeeze %dma_start3A_44 : memref<1x1x79x128xi32, #tpu.memory_space<hbm>> -> memref<79x128xi32, #tpu.memory_space<hbm>>
      %dma_start3A_46 = arith.constant 0 : i32
      %dma_start3A_47 = arith.constant 0 : i32
      %dma_start3A_48 = tpu.memref_slice %arg2[%arg0, %arg1, %dma_start3A_46, %dma_start3A_47] : memref<2x16x79x128xi32, #tpu.memory_space<hbm>> -> memref<1x1x79x128xi32, #tpu.memory_space<hbm>>
      %dma_start3A_49 = tpu.memref_squeeze %dma_start3A_48 : memref<1x1x79x128xi32, #tpu.memory_space<hbm>> -> memref<79x128xi32, #tpu.memory_space<hbm>>
      tpu.enqueue_dma source(%dma_start3A_49 : memref<79x128xi32, #tpu.memory_space<hbm>>) target(%arg4 : memref<79x128xi32, #tpu.memory_space<vmem>>) target_semaphore(%run_scoped3A : memref<!tpu.dma_semaphore, #tpu.memory_space<semaphore_mem>>)
      %dma_wait3A = arith.constant 0 : i32
      %dma_wait3A_50 = arith.constant 0 : i32
      %dma_wait3A_51 = tpu.memref_slice %arg2[%arg0, %arg1, %dma_wait3A, %dma_wait3A_50] : memref<2x16x79x128xi32, #tpu.memory_space<hbm>> -> memref<1x1x79x128xi32, #tpu.memory_space<hbm>>
      %dma_wait3A_52 = tpu.memref_squeeze %dma_wait3A_51 : memref<1x1x79x128xi32, #tpu.memory_space<hbm>> -> memref<79x128xi32, #tpu.memory_space<hbm>>
      %dma_wait3A_53 = arith.constant 0 : i32
      %dma_wait3A_54 = arith.constant 0 : i32
      %dma_wait3A_55 = tpu.memref_slice %arg2[%arg0, %arg1, %dma_wait3A_53, %dma_wait3A_54] : memref<2x16x79x128xi32, #tpu.memory_space<hbm>> -> memref<1x1x79x128xi32, #tpu.memory_space<hbm>>
      %dma_wait3A_56 = tpu.memref_squeeze %dma_wait3A_55 : memref<1x1x79x128xi32, #tpu.memory_space<hbm>> -> memref<79x128xi32, #tpu.memory_space<hbm>>
      tpu.wait_dma2 semaphore(%run_scoped3A : memref<!tpu.dma_semaphore, #tpu.memory_space<semaphore_mem>>) src(%dma_wait3A_56 : memref<79x128xi32, #tpu.memory_space<hbm>>) dst(%arg4 : memref<79x128xi32, #tpu.memory_space<vmem>>)
      tpu.yield
    }) : () -> ()
    %barrier3A = arith.constant 0 : index
    tpu.barrier barrier_id(%barrier3A)
    %scan3A_31 = arith.constant 0 : i32
    %scan3A_32 = arith.constant 0 : i32
    %scan3A_33 = arith.constant 79 : i32
    %scan3A_34 = arith.addi %scan3A_32, %scan3A_33 : i32
    %scan3A_35 = arith.constant 1 : i32
    %scan3A_36 = scf.for %scan3A_43 = %scan3A_32 to %scan3A_34 step %scan3A_35 iter_args(%scan3A_44 = %scan3A_31) -> (i32)  : i32 {
      "tpu.region"() ({
        %run_scoped3A = tpu.sem_alloc : memref<!tpu.dma_semaphore, #tpu.memory_space<semaphore_mem>>
        %dma_start3A = arith.constant 0 : i32
        %dma_start3A_46 = tpu.memref_slice %arg4[%scan3A_43, %dma_start3A] : memref<79x128xi32, #tpu.memory_space<vmem>> -> memref<1x128xi32, #tpu.memory_space<vmem>>
        %dma_start3A_47 = tpu.memref_squeeze %dma_start3A_46 : memref<1x128xi32, #tpu.memory_space<vmem>> -> memref<128xi32, #tpu.memory_space<vmem>>
        %dma_start3A_48 = arith.constant 0 : i32
        %dma_start3A_49 = arith.constant 0 : i32
        %dma_start3A_50 = tpu.memref_slice %arg6[%dma_start3A_48, %dma_start3A_49] : memref<10240x16xf32, #tpu.memory_space<vmem_shared>> -> memref<10240x16xf32, #tpu.memory_space<vmem_shared>>
        tpu.enqueue_indirect_dma source(%arg5 : memref<128x16xf32, #tpu.memory_space<vmem>>) target(%dma_start3A_50 : memref<10240x16xf32, #tpu.memory_space<vmem_shared>>) offsets(%dma_start3A_47 : memref<128xi32, #tpu.memory_space<vmem>>) semaphore(%run_scoped3A : memref<!tpu.dma_semaphore, #tpu.memory_space<semaphore_mem>>) {add = true}
        %dma_wait3A = arith.constant 0 : i32
        %dma_wait3A_51 = tpu.memref_slice %arg4[%scan3A_43, %dma_wait3A] : memref<79x128xi32, #tpu.memory_space<vmem>> -> memref<1x128xi32, #tpu.memory_space<vmem>>
        %dma_wait3A_52 = tpu.memref_squeeze %dma_wait3A_51 : memref<1x128xi32, #tpu.memory_space<vmem>> -> memref<128xi32, #tpu.memory_space<vmem>>
        %dma_wait3A_53 = arith.constant 0 : i32
        %dma_wait3A_54 = arith.constant 0 : i32
        %dma_wait3A_55 = tpu.memref_slice %arg6[%dma_wait3A_53, %dma_wait3A_54] : memref<10240x16xf32, #tpu.memory_space<vmem_shared>> -> memref<10240x16xf32, #tpu.memory_space<vmem_shared>>
        tpu.wait_indirect_dma semaphore(%run_scoped3A : memref<!tpu.dma_semaphore, #tpu.memory_space<semaphore_mem>>) src(%arg5 : memref<128x16xf32, #tpu.memory_space<vmem>>) dst(%dma_wait3A_55 : memref<10240x16xf32, #tpu.memory_space<vmem_shared>>)
        tpu.yield
      }) : () -> ()
      %scan3A_45 = arith.constant 0 : i32
      scf.yield %scan3A_45 : i32
    }
    %scan3A_37 = arith.constant 79 : i32
    %barrier3A_38 = arith.constant 0 : index
    tpu.barrier barrier_id(%barrier3A_38)
    %mul3A_39 = arith.constant 640 : i32
    %mul3A_40 = arith.muli %arg1, %mul3A_39 : i32
    %mul3A_41 = arith.constant 640 : i32
    %mul3A_42 = arith.muli %arg1, %mul3A_41 : i32
    "tpu.region"() ({
      %run_scoped3A = tpu.sem_alloc : memref<!tpu.dma_semaphore, #tpu.memory_space<semaphore_mem>>
      %dma_start3A = arith.constant 0 : i32
      %dma_start3A_43 = tpu.memref_slice %arg3[%arg0, %mul3A_42, %dma_start3A] : memref<2x10240x16xf32, #tpu.memory_space<hbm>> -> memref<1x640x16xf32, #tpu.memory_space<hbm>>
      %dma_start3A_44 = tpu.memref_squeeze %dma_start3A_43 : memref<1x640x16xf32, #tpu.memory_space<hbm>> -> memref<640x16xf32, #tpu.memory_space<hbm>>
      %dma_start3A_45 = arith.constant 0 : i32
      %dma_start3A_46 = tpu.memref_slice %arg6[%mul3A_40, %dma_start3A_45] : memref<10240x16xf32, #tpu.memory_space<vmem_shared>> -> memref<640x16xf32, #tpu.memory_space<vmem_shared>>
      tpu.enqueue_dma source(%dma_start3A_46 : memref<640x16xf32, #tpu.memory_space<vmem_shared>>) target(%dma_start3A_44 : memref<640x16xf32, #tpu.memory_space<hbm>>) target_semaphore(%run_scoped3A : memref<!tpu.dma_semaphore, #tpu.memory_space<semaphore_mem>>)
      %dma_wait3A = arith.constant 0 : i32
      %dma_wait3A_47 = tpu.memref_slice %arg3[%arg0, %mul3A_42, %dma_wait3A] : memref<2x10240x16xf32, #tpu.memory_space<hbm>> -> memref<1x640x16xf32, #tpu.memory_space<hbm>>
      %dma_wait3A_48 = tpu.memref_squeeze %dma_wait3A_47 : memref<1x640x16xf32, #tpu.memory_space<hbm>> -> memref<640x16xf32, #tpu.memory_space<hbm>>
      %dma_wait3A_49 = arith.constant 0 : i32
      %dma_wait3A_50 = tpu.memref_slice %arg6[%mul3A_40, %dma_wait3A_49] : memref<10240x16xf32, #tpu.memory_space<vmem_shared>> -> memref<640x16xf32, #tpu.memory_space<vmem_shared>>
      tpu.wait_dma2 semaphore(%run_scoped3A : memref<!tpu.dma_semaphore, #tpu.memory_space<semaphore_mem>>) src(%dma_wait3A_50 : memref<640x16xf32, #tpu.memory_space<vmem_shared>>) dst(%dma_wait3A_48 : memref<640x16xf32, #tpu.memory_space<hbm>>)
      tpu.yield
    }) : () -> ()
    return
  }
}

#map = affine_map<(d0, d1) -> (0, 0)>
#map1 = affine_map<(d0, d1) -> (0, 0, 0, 0)>
#map2 = affine_map<(d0, d1) -> (0, 0, 0)>
module attributes {stable_mosaic.version = 14 : i64} {
  func.func @agg_kernel(%arg0: i32, %arg1: i32, %arg2: memref<10000x128xf32, #tpu.memory_space<hbm>>, %arg3: memref<2x16x79x128xi32, #tpu.memory_space<hbm>>, %arg4: memref<2x16x79x128xi32, #tpu.memory_space<hbm>>, %arg5: memref<2x10240x128xf32, #tpu.memory_space<hbm>>, %arg6: memref<79x128xi32, #tpu.memory_space<vmem>>, %arg7: memref<79x128xi32, #tpu.memory_space<vmem>>, %arg8: memref<128x128xf32, #tpu.memory_space<vmem>>, %arg9: memref<10240x128xf32, #tpu.memory_space<vmem_shared>>, %arg10: memref<!tpu.dma_semaphore, #tpu.memory_space<semaphore_mem>>) attributes {dimension_semantics = [#tpu.dimension_semantics<core_parallel>, #tpu.dimension_semantics<subcore_parallel>], iteration_bounds = array<i64: 2, 16>, scalar_prefetch = 0 : i64, scratch_operands = 5 : i64, tpu.core_type = #tpu.core_type<sc_vector_subcore>, window_params = [{transform_indices = #map}, {transform_indices = #map1}, {transform_indices = #map1}, {transform_indices = #map2}]} {
    %scan3A = arith.constant 0 : i32
    %scan3A_0 = arith.constant 0 : i32
    %scan3A_1 = arith.constant 128 : i32
    %scan3A_2 = arith.addi %scan3A_0, %scan3A_1 : i32
    %scan3A_3 = arith.constant 1 : i32
    %scan3A_4 = scf.for %scan3A_36 = %scan3A_0 to %scan3A_2 step %scan3A_3 iter_args(%scan3A_37 = %scan3A) -> (i32)  : i32 {
      %broadcast_in_dim3A = arith.constant 0.000000e+00 : f32
      %broadcast_in_dim3A_38 = vector.broadcast %broadcast_in_dim3A : f32 to vector<16xf32>
      %swap3A = arith.index_cast %scan3A_36 : i32 to index
      %swap3A_39 = arith.constant 0 : index
      %swap3A_40 = tpu.vector_load %arg8[%swap3A, %swap3A_39] {strides = array<i32>} : memref<128x128xf32, #tpu.memory_space<vmem>>, vector<1x16xf32>,
      %swap3A_41 = vector.shape_cast %swap3A_40 : vector<1x16xf32> to vector<16xf32>
      %swap3A_42 = vector.shape_cast %broadcast_in_dim3A_38 : vector<16xf32> to vector<1x16xf32>
      tpu.vector_store %arg8[%swap3A, %swap3A_39], %swap3A_42 {strides = array<i32>} : memref<128x128xf32, #tpu.memory_space<vmem>>, vector<1x16xf32>,
      %broadcast_in_dim3A_43 = arith.constant 0.000000e+00 : f32
      %broadcast_in_dim3A_44 = vector.broadcast %broadcast_in_dim3A_43 : f32 to vector<16xf32>
      %swap3A_45 = arith.index_cast %scan3A_36 : i32 to index
      %swap3A_46 = arith.constant 16 : index
      %swap3A_47 = tpu.vector_load %arg8[%swap3A_45, %swap3A_46] {strides = array<i32>} : memref<128x128xf32, #tpu.memory_space<vmem>>, vector<1x16xf32>,
      %swap3A_48 = vector.shape_cast %swap3A_47 : vector<1x16xf32> to vector<16xf32>
      %swap3A_49 = vector.shape_cast %broadcast_in_dim3A_44 : vector<16xf32> to vector<1x16xf32>
      tpu.vector_store %arg8[%swap3A_45, %swap3A_46], %swap3A_49 {strides = array<i32>} : memref<128x128xf32, #tpu.memory_space<vmem>>, vector<1x16xf32>,
      %broadcast_in_dim3A_50 = arith.constant 0.000000e+00 : f32
      %broadcast_in_dim3A_51 = vector.broadcast %broadcast_in_dim3A_50 : f32 to vector<16xf32>
      %swap3A_52 = arith.index_cast %scan3A_36 : i32 to index
      %swap3A_53 = arith.constant 32 : index
      %swap3A_54 = tpu.vector_load %arg8[%swap3A_52, %swap3A_53] {strides = array<i32>} : memref<128x128xf32, #tpu.memory_space<vmem>>, vector<1x16xf32>,
      %swap3A_55 = vector.shape_cast %swap3A_54 : vector<1x16xf32> to vector<16xf32>
      %swap3A_56 = vector.shape_cast %broadcast_in_dim3A_51 : vector<16xf32> to vector<1x16xf32>
      tpu.vector_store %arg8[%swap3A_52, %swap3A_53], %swap3A_56 {strides = array<i32>} : memref<128x128xf32, #tpu.memory_space<vmem>>, vector<1x16xf32>,
      %broadcast_in_dim3A_57 = arith.constant 0.000000e+00 : f32
      %broadcast_in_dim3A_58 = vector.broadcast %broadcast_in_dim3A_57 : f32 to vector<16xf32>
      %swap3A_59 = arith.index_cast %scan3A_36 : i32 to index
      %swap3A_60 = arith.constant 48 : index
      %swap3A_61 = tpu.vector_load %arg8[%swap3A_59, %swap3A_60] {strides = array<i32>} : memref<128x128xf32, #tpu.memory_space<vmem>>, vector<1x16xf32>,
      %swap3A_62 = vector.shape_cast %swap3A_61 : vector<1x16xf32> to vector<16xf32>
      %swap3A_63 = vector.shape_cast %broadcast_in_dim3A_58 : vector<16xf32> to vector<1x16xf32>
      tpu.vector_store %arg8[%swap3A_59, %swap3A_60], %swap3A_63 {strides = array<i32>} : memref<128x128xf32, #tpu.memory_space<vmem>>, vector<1x16xf32>,
      %broadcast_in_dim3A_64 = arith.constant 0.000000e+00 : f32
      %broadcast_in_dim3A_65 = vector.broadcast %broadcast_in_dim3A_64 : f32 to vector<16xf32>
      %swap3A_66 = arith.index_cast %scan3A_36 : i32 to index
      %swap3A_67 = arith.constant 64 : index
      %swap3A_68 = tpu.vector_load %arg8[%swap3A_66, %swap3A_67] {strides = array<i32>} : memref<128x128xf32, #tpu.memory_space<vmem>>, vector<1x16xf32>,
      %swap3A_69 = vector.shape_cast %swap3A_68 : vector<1x16xf32> to vector<16xf32>
      %swap3A_70 = vector.shape_cast %broadcast_in_dim3A_65 : vector<16xf32> to vector<1x16xf32>
      tpu.vector_store %arg8[%swap3A_66, %swap3A_67], %swap3A_70 {strides = array<i32>} : memref<128x128xf32, #tpu.memory_space<vmem>>, vector<1x16xf32>,
      %broadcast_in_dim3A_71 = arith.constant 0.000000e+00 : f32
      %broadcast_in_dim3A_72 = vector.broadcast %broadcast_in_dim3A_71 : f32 to vector<16xf32>
      %swap3A_73 = arith.index_cast %scan3A_36 : i32 to index
      %swap3A_74 = arith.constant 80 : index
      %swap3A_75 = tpu.vector_load %arg8[%swap3A_73, %swap3A_74] {strides = array<i32>} : memref<128x128xf32, #tpu.memory_space<vmem>>, vector<1x16xf32>,
      %swap3A_76 = vector.shape_cast %swap3A_75 : vector<1x16xf32> to vector<16xf32>
      %swap3A_77 = vector.shape_cast %broadcast_in_dim3A_72 : vector<16xf32> to vector<1x16xf32>
      tpu.vector_store %arg8[%swap3A_73, %swap3A_74], %swap3A_77 {strides = array<i32>} : memref<128x128xf32, #tpu.memory_space<vmem>>, vector<1x16xf32>,
      %broadcast_in_dim3A_78 = arith.constant 0.000000e+00 : f32
      %broadcast_in_dim3A_79 = vector.broadcast %broadcast_in_dim3A_78 : f32 to vector<16xf32>
      %swap3A_80 = arith.index_cast %scan3A_36 : i32 to index
      %swap3A_81 = arith.constant 96 : index
      %swap3A_82 = tpu.vector_load %arg8[%swap3A_80, %swap3A_81] {strides = array<i32>} : memref<128x128xf32, #tpu.memory_space<vmem>>, vector<1x16xf32>,
      %swap3A_83 = vector.shape_cast %swap3A_82 : vector<1x16xf32> to vector<16xf32>
      %swap3A_84 = vector.shape_cast %broadcast_in_dim3A_79 : vector<16xf32> to vector<1x16xf32>
      tpu.vector_store %arg8[%swap3A_80, %swap3A_81], %swap3A_84 {strides = array<i32>} : memref<128x128xf32, #tpu.memory_space<vmem>>, vector<1x16xf32>,
      %broadcast_in_dim3A_85 = arith.constant 0.000000e+00 : f32
      %broadcast_in_dim3A_86 = vector.broadcast %broadcast_in_dim3A_85 : f32 to vector<16xf32>
      %swap3A_87 = arith.index_cast %scan3A_36 : i32 to index
      %swap3A_88 = arith.constant 112 : index
      %swap3A_89 = tpu.vector_load %arg8[%swap3A_87, %swap3A_88] {strides = array<i32>} : memref<128x128xf32, #tpu.memory_space<vmem>>, vector<1x16xf32>,
      %swap3A_90 = vector.shape_cast %swap3A_89 : vector<1x16xf32> to vector<16xf32>
      %swap3A_91 = vector.shape_cast %broadcast_in_dim3A_86 : vector<16xf32> to vector<1x16xf32>
      tpu.vector_store %arg8[%swap3A_87, %swap3A_88], %swap3A_91 {strides = array<i32>} : memref<128x128xf32, #tpu.memory_space<vmem>>, vector<1x16xf32>,
      %scan3A_92 = arith.constant 0 : i32
      scf.yield %scan3A_92 : i32
    }
    %scan3A_5 = arith.constant 128 : i32
    %mul3A = arith.constant 640 : i32
    %mul3A_6 = arith.muli %arg1, %mul3A : i32
    %add3A = arith.constant 0 : i32
    %add3A_7 = arith.addi %mul3A_6, %add3A : i32
    "tpu.region"() ({
      %run_scoped3A = tpu.sem_alloc : memref<!tpu.dma_semaphore, #tpu.memory_space<semaphore_mem>>
      %dma_start3A = arith.constant 0 : i32
      %dma_start3A_36 = tpu.memref_slice %arg9[%add3A_7, %dma_start3A] : memref<10240x128xf32, #tpu.memory_space<vmem_shared>> -> memref<128x128xf32, #tpu.memory_space<vmem_shared>>
      %dma_start3A_37 = arith.constant 0 : i32
      %dma_start3A_38 = tpu.memref_slice %arg9[%add3A_7, %dma_start3A_37] : memref<10240x128xf32, #tpu.memory_space<vmem_shared>> -> memref<128x128xf32, #tpu.memory_space<vmem_shared>>
      tpu.enqueue_dma source(%arg8 : memref<128x128xf32, #tpu.memory_space<vmem>>) target(%dma_start3A_38 : memref<128x128xf32, #tpu.memory_space<vmem_shared>>) target_semaphore(%run_scoped3A : memref<!tpu.dma_semaphore, #tpu.memory_space<semaphore_mem>>)
      %dma_wait3A = arith.constant 0 : i32
      %dma_wait3A_39 = tpu.memref_slice %arg9[%add3A_7, %dma_wait3A] : memref<10240x128xf32, #tpu.memory_space<vmem_shared>> -> memref<128x128xf32, #tpu.memory_space<vmem_shared>>
      %dma_wait3A_40 = arith.constant 0 : i32
      %dma_wait3A_41 = tpu.memref_slice %arg9[%add3A_7, %dma_wait3A_40] : memref<10240x128xf32, #tpu.memory_space<vmem_shared>> -> memref<128x128xf32, #tpu.memory_space<vmem_shared>>
      tpu.wait_dma2 semaphore(%run_scoped3A : memref<!tpu.dma_semaphore, #tpu.memory_space<semaphore_mem>>) src(%arg8 : memref<128x128xf32, #tpu.memory_space<vmem>>) dst(%dma_wait3A_41 : memref<128x128xf32, #tpu.memory_space<vmem_shared>>)
      tpu.yield
    }) : () -> ()
    %mul3A_8 = arith.constant 640 : i32
    %mul3A_9 = arith.muli %arg1, %mul3A_8 : i32
    %add3A_10 = arith.constant 128 : i32
    %add3A_11 = arith.addi %mul3A_9, %add3A_10 : i32
    "tpu.region"() ({
      %run_scoped3A = tpu.sem_alloc : memref<!tpu.dma_semaphore, #tpu.memory_space<semaphore_mem>>
      %dma_start3A = arith.constant 0 : i32
      %dma_start3A_36 = tpu.memref_slice %arg9[%add3A_11, %dma_start3A] : memref<10240x128xf32, #tpu.memory_space<vmem_shared>> -> memref<128x128xf32, #tpu.memory_space<vmem_shared>>
      %dma_start3A_37 = arith.constant 0 : i32
      %dma_start3A_38 = tpu.memref_slice %arg9[%add3A_11, %dma_start3A_37] : memref<10240x128xf32, #tpu.memory_space<vmem_shared>> -> memref<128x128xf32, #tpu.memory_space<vmem_shared>>
      tpu.enqueue_dma source(%arg8 : memref<128x128xf32, #tpu.memory_space<vmem>>) target(%dma_start3A_38 : memref<128x128xf32, #tpu.memory_space<vmem_shared>>) target_semaphore(%run_scoped3A : memref<!tpu.dma_semaphore, #tpu.memory_space<semaphore_mem>>)
      %dma_wait3A = arith.constant 0 : i32
      %dma_wait3A_39 = tpu.memref_slice %arg9[%add3A_11, %dma_wait3A] : memref<10240x128xf32, #tpu.memory_space<vmem_shared>> -> memref<128x128xf32, #tpu.memory_space<vmem_shared>>
      %dma_wait3A_40 = arith.constant 0 : i32
      %dma_wait3A_41 = tpu.memref_slice %arg9[%add3A_11, %dma_wait3A_40] : memref<10240x128xf32, #tpu.memory_space<vmem_shared>> -> memref<128x128xf32, #tpu.memory_space<vmem_shared>>
      tpu.wait_dma2 semaphore(%run_scoped3A : memref<!tpu.dma_semaphore, #tpu.memory_space<semaphore_mem>>) src(%arg8 : memref<128x128xf32, #tpu.memory_space<vmem>>) dst(%dma_wait3A_41 : memref<128x128xf32, #tpu.memory_space<vmem_shared>>)
      tpu.yield
    }) : () -> ()
    %mul3A_12 = arith.constant 640 : i32
    %mul3A_13 = arith.muli %arg1, %mul3A_12 : i32
    %add3A_14 = arith.constant 256 : i32
    %add3A_15 = arith.addi %mul3A_13, %add3A_14 : i32
    "tpu.region"() ({
      %run_scoped3A = tpu.sem_alloc : memref<!tpu.dma_semaphore, #tpu.memory_space<semaphore_mem>>
      %dma_start3A = arith.constant 0 : i32
      %dma_start3A_36 = tpu.memref_slice %arg9[%add3A_15, %dma_start3A] : memref<10240x128xf32, #tpu.memory_space<vmem_shared>> -> memref<128x128xf32, #tpu.memory_space<vmem_shared>>
      %dma_start3A_37 = arith.constant 0 : i32
      %dma_start3A_38 = tpu.memref_slice %arg9[%add3A_15, %dma_start3A_37] : memref<10240x128xf32, #tpu.memory_space<vmem_shared>> -> memref<128x128xf32, #tpu.memory_space<vmem_shared>>
      tpu.enqueue_dma source(%arg8 : memref<128x128xf32, #tpu.memory_space<vmem>>) target(%dma_start3A_38 : memref<128x128xf32, #tpu.memory_space<vmem_shared>>) target_semaphore(%run_scoped3A : memref<!tpu.dma_semaphore, #tpu.memory_space<semaphore_mem>>)
      %dma_wait3A = arith.constant 0 : i32
      %dma_wait3A_39 = tpu.memref_slice %arg9[%add3A_15, %dma_wait3A] : memref<10240x128xf32, #tpu.memory_space<vmem_shared>> -> memref<128x128xf32, #tpu.memory_space<vmem_shared>>
      %dma_wait3A_40 = arith.constant 0 : i32
      %dma_wait3A_41 = tpu.memref_slice %arg9[%add3A_15, %dma_wait3A_40] : memref<10240x128xf32, #tpu.memory_space<vmem_shared>> -> memref<128x128xf32, #tpu.memory_space<vmem_shared>>
      tpu.wait_dma2 semaphore(%run_scoped3A : memref<!tpu.dma_semaphore, #tpu.memory_space<semaphore_mem>>) src(%arg8 : memref<128x128xf32, #tpu.memory_space<vmem>>) dst(%dma_wait3A_41 : memref<128x128xf32, #tpu.memory_space<vmem_shared>>)
      tpu.yield
    }) : () -> ()
    %mul3A_16 = arith.constant 640 : i32
    %mul3A_17 = arith.muli %arg1, %mul3A_16 : i32
    %add3A_18 = arith.constant 384 : i32
    %add3A_19 = arith.addi %mul3A_17, %add3A_18 : i32
    "tpu.region"() ({
      %run_scoped3A = tpu.sem_alloc : memref<!tpu.dma_semaphore, #tpu.memory_space<semaphore_mem>>
      %dma_start3A = arith.constant 0 : i32
      %dma_start3A_36 = tpu.memref_slice %arg9[%add3A_19, %dma_start3A] : memref<10240x128xf32, #tpu.memory_space<vmem_shared>> -> memref<128x128xf32, #tpu.memory_space<vmem_shared>>
      %dma_start3A_37 = arith.constant 0 : i32
      %dma_start3A_38 = tpu.memref_slice %arg9[%add3A_19, %dma_start3A_37] : memref<10240x128xf32, #tpu.memory_space<vmem_shared>> -> memref<128x128xf32, #tpu.memory_space<vmem_shared>>
      tpu.enqueue_dma source(%arg8 : memref<128x128xf32, #tpu.memory_space<vmem>>) target(%dma_start3A_38 : memref<128x128xf32, #tpu.memory_space<vmem_shared>>) target_semaphore(%run_scoped3A : memref<!tpu.dma_semaphore, #tpu.memory_space<semaphore_mem>>)
      %dma_wait3A = arith.constant 0 : i32
      %dma_wait3A_39 = tpu.memref_slice %arg9[%add3A_19, %dma_wait3A] : memref<10240x128xf32, #tpu.memory_space<vmem_shared>> -> memref<128x128xf32, #tpu.memory_space<vmem_shared>>
      %dma_wait3A_40 = arith.constant 0 : i32
      %dma_wait3A_41 = tpu.memref_slice %arg9[%add3A_19, %dma_wait3A_40] : memref<10240x128xf32, #tpu.memory_space<vmem_shared>> -> memref<128x128xf32, #tpu.memory_space<vmem_shared>>
      tpu.wait_dma2 semaphore(%run_scoped3A : memref<!tpu.dma_semaphore, #tpu.memory_space<semaphore_mem>>) src(%arg8 : memref<128x128xf32, #tpu.memory_space<vmem>>) dst(%dma_wait3A_41 : memref<128x128xf32, #tpu.memory_space<vmem_shared>>)
      tpu.yield
    }) : () -> ()
    %mul3A_20 = arith.constant 640 : i32
    %mul3A_21 = arith.muli %arg1, %mul3A_20 : i32
    %add3A_22 = arith.constant 512 : i32
    %add3A_23 = arith.addi %mul3A_21, %add3A_22 : i32
    "tpu.region"() ({
      %run_scoped3A = tpu.sem_alloc : memref<!tpu.dma_semaphore, #tpu.memory_space<semaphore_mem>>
      %dma_start3A = arith.constant 0 : i32
      %dma_start3A_36 = tpu.memref_slice %arg9[%add3A_23, %dma_start3A] : memref<10240x128xf32, #tpu.memory_space<vmem_shared>> -> memref<128x128xf32, #tpu.memory_space<vmem_shared>>
      %dma_start3A_37 = arith.constant 0 : i32
      %dma_start3A_38 = tpu.memref_slice %arg9[%add3A_23, %dma_start3A_37] : memref<10240x128xf32, #tpu.memory_space<vmem_shared>> -> memref<128x128xf32, #tpu.memory_space<vmem_shared>>
      tpu.enqueue_dma source(%arg8 : memref<128x128xf32, #tpu.memory_space<vmem>>) target(%dma_start3A_38 : memref<128x128xf32, #tpu.memory_space<vmem_shared>>) target_semaphore(%run_scoped3A : memref<!tpu.dma_semaphore, #tpu.memory_space<semaphore_mem>>)
      %dma_wait3A = arith.constant 0 : i32
      %dma_wait3A_39 = tpu.memref_slice %arg9[%add3A_23, %dma_wait3A] : memref<10240x128xf32, #tpu.memory_space<vmem_shared>> -> memref<128x128xf32, #tpu.memory_space<vmem_shared>>
      %dma_wait3A_40 = arith.constant 0 : i32
      %dma_wait3A_41 = tpu.memref_slice %arg9[%add3A_23, %dma_wait3A_40] : memref<10240x128xf32, #tpu.memory_space<vmem_shared>> -> memref<128x128xf32, #tpu.memory_space<vmem_shared>>
      tpu.wait_dma2 semaphore(%run_scoped3A : memref<!tpu.dma_semaphore, #tpu.memory_space<semaphore_mem>>) src(%arg8 : memref<128x128xf32, #tpu.memory_space<vmem>>) dst(%dma_wait3A_41 : memref<128x128xf32, #tpu.memory_space<vmem_shared>>)
      tpu.yield
    }) : () -> ()
    "tpu.region"() ({
      %run_scoped3A = tpu.sem_alloc : memref<!tpu.dma_semaphore, #tpu.memory_space<semaphore_mem>>
      %dma_start3A = arith.constant 0 : i32
      %dma_start3A_36 = arith.constant 0 : i32
      %dma_start3A_37 = tpu.memref_slice %arg3[%arg0, %arg1, %dma_start3A, %dma_start3A_36] : memref<2x16x79x128xi32, #tpu.memory_space<hbm>> -> memref<1x1x79x128xi32, #tpu.memory_space<hbm>>
      %dma_start3A_38 = tpu.memref_squeeze %dma_start3A_37 : memref<1x1x79x128xi32, #tpu.memory_space<hbm>> -> memref<79x128xi32, #tpu.memory_space<hbm>>
      %dma_start3A_39 = arith.constant 0 : i32
      %dma_start3A_40 = arith.constant 0 : i32
      %dma_start3A_41 = tpu.memref_slice %arg3[%arg0, %arg1, %dma_start3A_39, %dma_start3A_40] : memref<2x16x79x128xi32, #tpu.memory_space<hbm>> -> memref<1x1x79x128xi32, #tpu.memory_space<hbm>>
      %dma_start3A_42 = tpu.memref_squeeze %dma_start3A_41 : memref<1x1x79x128xi32, #tpu.memory_space<hbm>> -> memref<79x128xi32, #tpu.memory_space<hbm>>
      tpu.enqueue_dma source(%dma_start3A_42 : memref<79x128xi32, #tpu.memory_space<hbm>>) target(%arg6 : memref<79x128xi32, #tpu.memory_space<vmem>>) target_semaphore(%run_scoped3A : memref<!tpu.dma_semaphore, #tpu.memory_space<semaphore_mem>>)
      %dma_wait3A = arith.constant 0 : i32
      %dma_wait3A_43 = arith.constant 0 : i32
      %dma_wait3A_44 = tpu.memref_slice %arg3[%arg0, %arg1, %dma_wait3A, %dma_wait3A_43] : memref<2x16x79x128xi32, #tpu.memory_space<hbm>> -> memref<1x1x79x128xi32, #tpu.memory_space<hbm>>
      %dma_wait3A_45 = tpu.memref_squeeze %dma_wait3A_44 : memref<1x1x79x128xi32, #tpu.memory_space<hbm>> -> memref<79x128xi32, #tpu.memory_space<hbm>>
      %dma_wait3A_46 = arith.constant 0 : i32
      %dma_wait3A_47 = arith.constant 0 : i32
      %dma_wait3A_48 = tpu.memref_slice %arg3[%arg0, %arg1, %dma_wait3A_46, %dma_wait3A_47] : memref<2x16x79x128xi32, #tpu.memory_space<hbm>> -> memref<1x1x79x128xi32, #tpu.memory_space<hbm>>
      %dma_wait3A_49 = tpu.memref_squeeze %dma_wait3A_48 : memref<1x1x79x128xi32, #tpu.memory_space<hbm>> -> memref<79x128xi32, #tpu.memory_space<hbm>>
      tpu.wait_dma2 semaphore(%run_scoped3A : memref<!tpu.dma_semaphore, #tpu.memory_space<semaphore_mem>>) src(%dma_wait3A_49 : memref<79x128xi32, #tpu.memory_space<hbm>>) dst(%arg6 : memref<79x128xi32, #tpu.memory_space<vmem>>)
      tpu.yield
    }) : () -> ()
    "tpu.region"() ({
      %run_scoped3A = tpu.sem_alloc : memref<!tpu.dma_semaphore, #tpu.memory_space<semaphore_mem>>
      %dma_start3A = arith.constant 0 : i32
      %dma_start3A_36 = arith.constant 0 : i32
      %dma_start3A_37 = tpu.memref_slice %arg4[%arg0, %arg1, %dma_start3A, %dma_start3A_36] : memref<2x16x79x128xi32, #tpu.memory_space<hbm>> -> memref<1x1x79x128xi32, #tpu.memory_space<hbm>>
      %dma_start3A_38 = tpu.memref_squeeze %dma_start3A_37 : memref<1x1x79x128xi32, #tpu.memory_space<hbm>> -> memref<79x128xi32, #tpu.memory_space<hbm>>
      %dma_start3A_39 = arith.constant 0 : i32
      %dma_start3A_40 = arith.constant 0 : i32
      %dma_start3A_41 = tpu.memref_slice %arg4[%arg0, %arg1, %dma_start3A_39, %dma_start3A_40] : memref<2x16x79x128xi32, #tpu.memory_space<hbm>> -> memref<1x1x79x128xi32, #tpu.memory_space<hbm>>
      %dma_start3A_42 = tpu.memref_squeeze %dma_start3A_41 : memref<1x1x79x128xi32, #tpu.memory_space<hbm>> -> memref<79x128xi32, #tpu.memory_space<hbm>>
      tpu.enqueue_dma source(%dma_start3A_42 : memref<79x128xi32, #tpu.memory_space<hbm>>) target(%arg7 : memref<79x128xi32, #tpu.memory_space<vmem>>) target_semaphore(%run_scoped3A : memref<!tpu.dma_semaphore, #tpu.memory_space<semaphore_mem>>)
      %dma_wait3A = arith.constant 0 : i32
      %dma_wait3A_43 = arith.constant 0 : i32
      %dma_wait3A_44 = tpu.memref_slice %arg4[%arg0, %arg1, %dma_wait3A, %dma_wait3A_43] : memref<2x16x79x128xi32, #tpu.memory_space<hbm>> -> memref<1x1x79x128xi32, #tpu.memory_space<hbm>>
      %dma_wait3A_45 = tpu.memref_squeeze %dma_wait3A_44 : memref<1x1x79x128xi32, #tpu.memory_space<hbm>> -> memref<79x128xi32, #tpu.memory_space<hbm>>
      %dma_wait3A_46 = arith.constant 0 : i32
      %dma_wait3A_47 = arith.constant 0 : i32
      %dma_wait3A_48 = tpu.memref_slice %arg4[%arg0, %arg1, %dma_wait3A_46, %dma_wait3A_47] : memref<2x16x79x128xi32, #tpu.memory_space<hbm>> -> memref<1x1x79x128xi32, #tpu.memory_space<hbm>>
      %dma_wait3A_49 = tpu.memref_squeeze %dma_wait3A_48 : memref<1x1x79x128xi32, #tpu.memory_space<hbm>> -> memref<79x128xi32, #tpu.memory_space<hbm>>
      tpu.wait_dma2 semaphore(%run_scoped3A : memref<!tpu.dma_semaphore, #tpu.memory_space<semaphore_mem>>) src(%dma_wait3A_49 : memref<79x128xi32, #tpu.memory_space<hbm>>) dst(%arg7 : memref<79x128xi32, #tpu.memory_space<vmem>>)
      tpu.yield
    }) : () -> ()
    %barrier3A = arith.constant 0 : index
    tpu.barrier barrier_id(%barrier3A)
    %scan3A_24 = arith.constant 0 : i32
    %scan3A_25 = arith.constant 0 : i32
    %scan3A_26 = arith.constant 79 : i32
    %scan3A_27 = arith.addi %scan3A_25, %scan3A_26 : i32
    %scan3A_28 = arith.constant 1 : i32
    %scan3A_29 = scf.for %scan3A_36 = %scan3A_25 to %scan3A_27 step %scan3A_28 iter_args(%scan3A_37 = %scan3A_24) -> (i32)  : i32 {
      %dma_start3A = arith.constant 0 : i32
      %dma_start3A_38 = tpu.memref_slice %arg6[%scan3A_36, %dma_start3A] : memref<79x128xi32, #tpu.memory_space<vmem>> -> memref<1x128xi32, #tpu.memory_space<vmem>>
      %dma_start3A_39 = tpu.memref_squeeze %dma_start3A_38 : memref<1x128xi32, #tpu.memory_space<vmem>> -> memref<128xi32, #tpu.memory_space<vmem>>
      %dma_start3A_40 = arith.constant 0 : i32
      %dma_start3A_41 = arith.constant 0 : i32
      %dma_start3A_42 = tpu.memref_slice %arg2[%dma_start3A_40, %dma_start3A_41] : memref<10000x128xf32, #tpu.memory_space<hbm>> -> memref<10000x128xf32, #tpu.memory_space<hbm>>
      tpu.enqueue_indirect_dma source(%dma_start3A_42 : memref<10000x128xf32, #tpu.memory_space<hbm>>) target(%arg8 : memref<128x128xf32, #tpu.memory_space<vmem>>) offsets(%dma_start3A_39 : memref<128xi32, #tpu.memory_space<vmem>>) semaphore(%arg10 : memref<!tpu.dma_semaphore, #tpu.memory_space<semaphore_mem>>)
      %dma_wait3A = arith.constant 0 : i32
      %dma_wait3A_43 = tpu.memref_slice %arg6[%scan3A_36, %dma_wait3A] : memref<79x128xi32, #tpu.memory_space<vmem>> -> memref<1x128xi32, #tpu.memory_space<vmem>>
      %dma_wait3A_44 = tpu.memref_squeeze %dma_wait3A_43 : memref<1x128xi32, #tpu.memory_space<vmem>> -> memref<128xi32, #tpu.memory_space<vmem>>
      %dma_wait3A_45 = arith.constant 0 : i32
      %dma_wait3A_46 = arith.constant 0 : i32
      %dma_wait3A_47 = tpu.memref_slice %arg2[%dma_wait3A_45, %dma_wait3A_46] : memref<10000x128xf32, #tpu.memory_space<hbm>> -> memref<10000x128xf32, #tpu.memory_space<hbm>>
      tpu.wait_indirect_dma semaphore(%arg10 : memref<!tpu.dma_semaphore, #tpu.memory_space<semaphore_mem>>) src(%dma_wait3A_47 : memref<10000x128xf32, #tpu.memory_space<hbm>>) dst(%arg8 : memref<128x128xf32, #tpu.memory_space<vmem>>)
      "tpu.region"() ({
        %run_scoped3A = tpu.sem_alloc : memref<!tpu.dma_semaphore, #tpu.memory_space<semaphore_mem>>
        %dma_start3A_49 = arith.constant 0 : i32
        %dma_start3A_50 = tpu.memref_slice %arg7[%scan3A_36, %dma_start3A_49] : memref<79x128xi32, #tpu.memory_space<vmem>> -> memref<1x128xi32, #tpu.memory_space<vmem>>
        %dma_start3A_51 = tpu.memref_squeeze %dma_start3A_50 : memref<1x128xi32, #tpu.memory_space<vmem>> -> memref<128xi32, #tpu.memory_space<vmem>>
        %dma_start3A_52 = arith.constant 0 : i32
        %dma_start3A_53 = arith.constant 0 : i32
        %dma_start3A_54 = tpu.memref_slice %arg9[%dma_start3A_52, %dma_start3A_53] : memref<10240x128xf32, #tpu.memory_space<vmem_shared>> -> memref<10240x128xf32, #tpu.memory_space<vmem_shared>>
        tpu.enqueue_indirect_dma source(%arg8 : memref<128x128xf32, #tpu.memory_space<vmem>>) target(%dma_start3A_54 : memref<10240x128xf32, #tpu.memory_space<vmem_shared>>) offsets(%dma_start3A_51 : memref<128xi32, #tpu.memory_space<vmem>>) semaphore(%run_scoped3A : memref<!tpu.dma_semaphore, #tpu.memory_space<semaphore_mem>>) {add = true}
        %dma_wait3A_55 = arith.constant 0 : i32
        %dma_wait3A_56 = tpu.memref_slice %arg7[%scan3A_36, %dma_wait3A_55] : memref<79x128xi32, #tpu.memory_space<vmem>> -> memref<1x128xi32, #tpu.memory_space<vmem>>
        %dma_wait3A_57 = tpu.memref_squeeze %dma_wait3A_56 : memref<1x128xi32, #tpu.memory_space<vmem>> -> memref<128xi32, #tpu.memory_space<vmem>>
        %dma_wait3A_58 = arith.constant 0 : i32
        %dma_wait3A_59 = arith.constant 0 : i32
        %dma_wait3A_60 = tpu.memref_slice %arg9[%dma_wait3A_58, %dma_wait3A_59] : memref<10240x128xf32, #tpu.memory_space<vmem_shared>> -> memref<10240x128xf32, #tpu.memory_space<vmem_shared>>
        tpu.wait_indirect_dma semaphore(%run_scoped3A : memref<!tpu.dma_semaphore, #tpu.memory_space<semaphore_mem>>) src(%arg8 : memref<128x128xf32, #tpu.memory_space<vmem>>) dst(%dma_wait3A_60 : memref<10240x128xf32, #tpu.memory_space<vmem_shared>>)
        tpu.yield
      }) : () -> ()
      %scan3A_48 = arith.constant 0 : i32
      scf.yield %scan3A_48 : i32
    }
    %scan3A_30 = arith.constant 79 : i32
    %barrier3A_31 = arith.constant 0 : index
    tpu.barrier barrier_id(%barrier3A_31)
    %mul3A_32 = arith.constant 640 : i32
    %mul3A_33 = arith.muli %arg1, %mul3A_32 : i32
    %mul3A_34 = arith.constant 640 : i32
    %mul3A_35 = arith.muli %arg1, %mul3A_34 : i32
    "tpu.region"() ({
      %run_scoped3A = tpu.sem_alloc : memref<!tpu.dma_semaphore, #tpu.memory_space<semaphore_mem>>
      %dma_start3A = arith.constant 0 : i32
      %dma_start3A_36 = tpu.memref_slice %arg5[%arg0, %mul3A_35, %dma_start3A] : memref<2x10240x128xf32, #tpu.memory_space<hbm>> -> memref<1x640x128xf32, #tpu.memory_space<hbm>>
      %dma_start3A_37 = tpu.memref_squeeze %dma_start3A_36 : memref<1x640x128xf32, #tpu.memory_space<hbm>> -> memref<640x128xf32, #tpu.memory_space<hbm>>
      %dma_start3A_38 = arith.constant 0 : i32
      %dma_start3A_39 = tpu.memref_slice %arg9[%mul3A_33, %dma_start3A_38] : memref<10240x128xf32, #tpu.memory_space<vmem_shared>> -> memref<640x128xf32, #tpu.memory_space<vmem_shared>>
      tpu.enqueue_dma source(%dma_start3A_39 : memref<640x128xf32, #tpu.memory_space<vmem_shared>>) target(%dma_start3A_37 : memref<640x128xf32, #tpu.memory_space<hbm>>) target_semaphore(%run_scoped3A : memref<!tpu.dma_semaphore, #tpu.memory_space<semaphore_mem>>)
      %dma_wait3A = arith.constant 0 : i32
      %dma_wait3A_40 = tpu.memref_slice %arg5[%arg0, %mul3A_35, %dma_wait3A] : memref<2x10240x128xf32, #tpu.memory_space<hbm>> -> memref<1x640x128xf32, #tpu.memory_space<hbm>>
      %dma_wait3A_41 = tpu.memref_squeeze %dma_wait3A_40 : memref<1x640x128xf32, #tpu.memory_space<hbm>> -> memref<640x128xf32, #tpu.memory_space<hbm>>
      %dma_wait3A_42 = arith.constant 0 : i32
      %dma_wait3A_43 = tpu.memref_slice %arg9[%mul3A_33, %dma_wait3A_42] : memref<10240x128xf32, #tpu.memory_space<vmem_shared>> -> memref<640x128xf32, #tpu.memory_space<vmem_shared>>
      tpu.wait_dma2 semaphore(%run_scoped3A : memref<!tpu.dma_semaphore, #tpu.memory_space<semaphore_mem>>) src(%dma_wait3A_43 : memref<640x128xf32, #tpu.memory_space<vmem_shared>>) dst(%dma_wait3A_41 : memref<640x128xf32, #tpu.memory_space<hbm>>)
      tpu.yield
    }) : () -> ()
    return
  }
}

#map = affine_map<(d0, d1) -> (0, 0)>
#map1 = affine_map<(d0, d1) -> (0, 0, 0, 0)>
#map2 = affine_map<(d0, d1) -> (0, 0, 0)>
module attributes {stable_mosaic.version = 14 : i64} {
  func.func @agg_kernel(%arg0: i32, %arg1: i32, %arg2: memref<10000x128xf32, #tpu.memory_space<hbm>>, %arg3: memref<2x16x79x128xi32, #tpu.memory_space<hbm>>, %arg4: memref<2x16x79x128xi32, #tpu.memory_space<hbm>>, %arg5: memref<2x10240x128xf32, #tpu.memory_space<hbm>>, %arg6: memref<79x128xi32, #tpu.memory_space<vmem>>, %arg7: memref<79x128xi32, #tpu.memory_space<vmem>>, %arg8: memref<128x128xf32, #tpu.memory_space<vmem>>, %arg9: memref<10240x128xf32, #tpu.memory_space<vmem_shared>>, %arg10: memref<!tpu.dma_semaphore, #tpu.memory_space<semaphore_mem>>) attributes {dimension_semantics = [#tpu.dimension_semantics<core_parallel>, #tpu.dimension_semantics<subcore_parallel>], iteration_bounds = array<i64: 2, 16>, scalar_prefetch = 0 : i64, scratch_operands = 5 : i64, tpu.core_type = #tpu.core_type<sc_vector_subcore>, window_params = [{transform_indices = #map}, {transform_indices = #map1}, {transform_indices = #map1}, {transform_indices = #map2}]} {
    %scan3A = arith.constant 0 : i32
    %scan3A_0 = arith.constant 0 : i32
    %scan3A_1 = arith.constant 128 : i32
    %scan3A_2 = arith.addi %scan3A_0, %scan3A_1 : i32
    %scan3A_3 = arith.constant 1 : i32
    %scan3A_4 = scf.for %scan3A_36 = %scan3A_0 to %scan3A_2 step %scan3A_3 iter_args(%scan3A_37 = %scan3A) -> (i32)  : i32 {
      %broadcast_in_dim3A = arith.constant 0.000000e+00 : f32
      %broadcast_in_dim3A_38 = vector.broadcast %broadcast_in_dim3A : f32 to vector<16xf32>
      %swap3A = arith.index_cast %scan3A_36 : i32 to index
      %swap3A_39 = arith.constant 0 : index
      %swap3A_40 = tpu.vector_load %arg8[%swap3A, %swap3A_39] {strides = array<i32>} : memref<128x128xf32, #tpu.memory_space<vmem>>, vector<1x16xf32>,
      %swap3A_41 = vector.shape_cast %swap3A_40 : vector<1x16xf32> to vector<16xf32>
      %swap3A_42 = vector.shape_cast %broadcast_in_dim3A_38 : vector<16xf32> to vector<1x16xf32>
      tpu.vector_store %arg8[%swap3A, %swap3A_39], %swap3A_42 {strides = array<i32>} : memref<128x128xf32, #tpu.memory_space<vmem>>, vector<1x16xf32>,
      %broadcast_in_dim3A_43 = arith.constant 0.000000e+00 : f32
      %broadcast_in_dim3A_44 = vector.broadcast %broadcast_in_dim3A_43 : f32 to vector<16xf32>
      %swap3A_45 = arith.index_cast %scan3A_36 : i32 to index
      %swap3A_46 = arith.constant 16 : index
      %swap3A_47 = tpu.vector_load %arg8[%swap3A_45, %swap3A_46] {strides = array<i32>} : memref<128x128xf32, #tpu.memory_space<vmem>>, vector<1x16xf32>,
      %swap3A_48 = vector.shape_cast %swap3A_47 : vector<1x16xf32> to vector<16xf32>
      %swap3A_49 = vector.shape_cast %broadcast_in_dim3A_44 : vector<16xf32> to vector<1x16xf32>
      tpu.vector_store %arg8[%swap3A_45, %swap3A_46], %swap3A_49 {strides = array<i32>} : memref<128x128xf32, #tpu.memory_space<vmem>>, vector<1x16xf32>,
      %broadcast_in_dim3A_50 = arith.constant 0.000000e+00 : f32
      %broadcast_in_dim3A_51 = vector.broadcast %broadcast_in_dim3A_50 : f32 to vector<16xf32>
      %swap3A_52 = arith.index_cast %scan3A_36 : i32 to index
      %swap3A_53 = arith.constant 32 : index
      %swap3A_54 = tpu.vector_load %arg8[%swap3A_52, %swap3A_53] {strides = array<i32>} : memref<128x128xf32, #tpu.memory_space<vmem>>, vector<1x16xf32>,
      %swap3A_55 = vector.shape_cast %swap3A_54 : vector<1x16xf32> to vector<16xf32>
      %swap3A_56 = vector.shape_cast %broadcast_in_dim3A_51 : vector<16xf32> to vector<1x16xf32>
      tpu.vector_store %arg8[%swap3A_52, %swap3A_53], %swap3A_56 {strides = array<i32>} : memref<128x128xf32, #tpu.memory_space<vmem>>, vector<1x16xf32>,
      %broadcast_in_dim3A_57 = arith.constant 0.000000e+00 : f32
      %broadcast_in_dim3A_58 = vector.broadcast %broadcast_in_dim3A_57 : f32 to vector<16xf32>
      %swap3A_59 = arith.index_cast %scan3A_36 : i32 to index
      %swap3A_60 = arith.constant 48 : index
      %swap3A_61 = tpu.vector_load %arg8[%swap3A_59, %swap3A_60] {strides = array<i32>} : memref<128x128xf32, #tpu.memory_space<vmem>>, vector<1x16xf32>,
      %swap3A_62 = vector.shape_cast %swap3A_61 : vector<1x16xf32> to vector<16xf32>
      %swap3A_63 = vector.shape_cast %broadcast_in_dim3A_58 : vector<16xf32> to vector<1x16xf32>
      tpu.vector_store %arg8[%swap3A_59, %swap3A_60], %swap3A_63 {strides = array<i32>} : memref<128x128xf32, #tpu.memory_space<vmem>>, vector<1x16xf32>,
      %broadcast_in_dim3A_64 = arith.constant 0.000000e+00 : f32
      %broadcast_in_dim3A_65 = vector.broadcast %broadcast_in_dim3A_64 : f32 to vector<16xf32>
      %swap3A_66 = arith.index_cast %scan3A_36 : i32 to index
      %swap3A_67 = arith.constant 64 : index
      %swap3A_68 = tpu.vector_load %arg8[%swap3A_66, %swap3A_67] {strides = array<i32>} : memref<128x128xf32, #tpu.memory_space<vmem>>, vector<1x16xf32>,
      %swap3A_69 = vector.shape_cast %swap3A_68 : vector<1x16xf32> to vector<16xf32>
      %swap3A_70 = vector.shape_cast %broadcast_in_dim3A_65 : vector<16xf32> to vector<1x16xf32>
      tpu.vector_store %arg8[%swap3A_66, %swap3A_67], %swap3A_70 {strides = array<i32>} : memref<128x128xf32, #tpu.memory_space<vmem>>, vector<1x16xf32>,
      %broadcast_in_dim3A_71 = arith.constant 0.000000e+00 : f32
      %broadcast_in_dim3A_72 = vector.broadcast %broadcast_in_dim3A_71 : f32 to vector<16xf32>
      %swap3A_73 = arith.index_cast %scan3A_36 : i32 to index
      %swap3A_74 = arith.constant 80 : index
      %swap3A_75 = tpu.vector_load %arg8[%swap3A_73, %swap3A_74] {strides = array<i32>} : memref<128x128xf32, #tpu.memory_space<vmem>>, vector<1x16xf32>,
      %swap3A_76 = vector.shape_cast %swap3A_75 : vector<1x16xf32> to vector<16xf32>
      %swap3A_77 = vector.shape_cast %broadcast_in_dim3A_72 : vector<16xf32> to vector<1x16xf32>
      tpu.vector_store %arg8[%swap3A_73, %swap3A_74], %swap3A_77 {strides = array<i32>} : memref<128x128xf32, #tpu.memory_space<vmem>>, vector<1x16xf32>,
      %broadcast_in_dim3A_78 = arith.constant 0.000000e+00 : f32
      %broadcast_in_dim3A_79 = vector.broadcast %broadcast_in_dim3A_78 : f32 to vector<16xf32>
      %swap3A_80 = arith.index_cast %scan3A_36 : i32 to index
      %swap3A_81 = arith.constant 96 : index
      %swap3A_82 = tpu.vector_load %arg8[%swap3A_80, %swap3A_81] {strides = array<i32>} : memref<128x128xf32, #tpu.memory_space<vmem>>, vector<1x16xf32>,
      %swap3A_83 = vector.shape_cast %swap3A_82 : vector<1x16xf32> to vector<16xf32>
      %swap3A_84 = vector.shape_cast %broadcast_in_dim3A_79 : vector<16xf32> to vector<1x16xf32>
      tpu.vector_store %arg8[%swap3A_80, %swap3A_81], %swap3A_84 {strides = array<i32>} : memref<128x128xf32, #tpu.memory_space<vmem>>, vector<1x16xf32>,
      %broadcast_in_dim3A_85 = arith.constant 0.000000e+00 : f32
      %broadcast_in_dim3A_86 = vector.broadcast %broadcast_in_dim3A_85 : f32 to vector<16xf32>
      %swap3A_87 = arith.index_cast %scan3A_36 : i32 to index
      %swap3A_88 = arith.constant 112 : index
      %swap3A_89 = tpu.vector_load %arg8[%swap3A_87, %swap3A_88] {strides = array<i32>} : memref<128x128xf32, #tpu.memory_space<vmem>>, vector<1x16xf32>,
      %swap3A_90 = vector.shape_cast %swap3A_89 : vector<1x16xf32> to vector<16xf32>
      %swap3A_91 = vector.shape_cast %broadcast_in_dim3A_86 : vector<16xf32> to vector<1x16xf32>
      tpu.vector_store %arg8[%swap3A_87, %swap3A_88], %swap3A_91 {strides = array<i32>} : memref<128x128xf32, #tpu.memory_space<vmem>>, vector<1x16xf32>,
      %scan3A_92 = arith.constant 0 : i32
      scf.yield %scan3A_92 : i32
    }
    %scan3A_5 = arith.constant 128 : i32
    %mul3A = arith.constant 640 : i32
    %mul3A_6 = arith.muli %arg1, %mul3A : i32
    %add3A = arith.constant 0 : i32
    %add3A_7 = arith.addi %mul3A_6, %add3A : i32
    "tpu.region"() ({
      %run_scoped3A = tpu.sem_alloc : memref<!tpu.dma_semaphore, #tpu.memory_space<semaphore_mem>>
      %dma_start3A = arith.constant 0 : i32
      %dma_start3A_36 = tpu.memref_slice %arg9[%add3A_7, %dma_start3A] : memref<10240x128xf32, #tpu.memory_space<vmem_shared>> -> memref<128x128xf32, #tpu.memory_space<vmem_shared>>
      %dma_start3A_37 = arith.constant 0 : i32
      %dma_start3A_38 = tpu.memref_slice %arg9[%add3A_7, %dma_start3A_37] : memref<10240x128xf32, #tpu.memory_space<vmem_shared>> -> memref<128x128xf32, #tpu.memory_space<vmem_shared>>
      tpu.enqueue_dma source(%arg8 : memref<128x128xf32, #tpu.memory_space<vmem>>) target(%dma_start3A_38 : memref<128x128xf32, #tpu.memory_space<vmem_shared>>) target_semaphore(%run_scoped3A : memref<!tpu.dma_semaphore, #tpu.memory_space<semaphore_mem>>)
      %dma_wait3A = arith.constant 0 : i32
      %dma_wait3A_39 = tpu.memref_slice %arg9[%add3A_7, %dma_wait3A] : memref<10240x128xf32, #tpu.memory_space<vmem_shared>> -> memref<128x128xf32, #tpu.memory_space<vmem_shared>>
      %dma_wait3A_40 = arith.constant 0 : i32
      %dma_wait3A_41 = tpu.memref_slice %arg9[%add3A_7, %dma_wait3A_40] : memref<10240x128xf32, #tpu.memory_space<vmem_shared>> -> memref<128x128xf32, #tpu.memory_space<vmem_shared>>
      tpu.wait_dma2 semaphore(%run_scoped3A : memref<!tpu.dma_semaphore, #tpu.memory_space<semaphore_mem>>) src(%arg8 : memref<128x128xf32, #tpu.memory_space<vmem>>) dst(%dma_wait3A_41 : memref<128x128xf32, #tpu.memory_space<vmem_shared>>)
      tpu.yield
    }) : () -> ()
    %mul3A_8 = arith.constant 640 : i32
    %mul3A_9 = arith.muli %arg1, %mul3A_8 : i32
    %add3A_10 = arith.constant 128 : i32
    %add3A_11 = arith.addi %mul3A_9, %add3A_10 : i32
    "tpu.region"() ({
      %run_scoped3A = tpu.sem_alloc : memref<!tpu.dma_semaphore, #tpu.memory_space<semaphore_mem>>
      %dma_start3A = arith.constant 0 : i32
      %dma_start3A_36 = tpu.memref_slice %arg9[%add3A_11, %dma_start3A] : memref<10240x128xf32, #tpu.memory_space<vmem_shared>> -> memref<128x128xf32, #tpu.memory_space<vmem_shared>>
      %dma_start3A_37 = arith.constant 0 : i32
      %dma_start3A_38 = tpu.memref_slice %arg9[%add3A_11, %dma_start3A_37] : memref<10240x128xf32, #tpu.memory_space<vmem_shared>> -> memref<128x128xf32, #tpu.memory_space<vmem_shared>>
      tpu.enqueue_dma source(%arg8 : memref<128x128xf32, #tpu.memory_space<vmem>>) target(%dma_start3A_38 : memref<128x128xf32, #tpu.memory_space<vmem_shared>>) target_semaphore(%run_scoped3A : memref<!tpu.dma_semaphore, #tpu.memory_space<semaphore_mem>>)
      %dma_wait3A = arith.constant 0 : i32
      %dma_wait3A_39 = tpu.memref_slice %arg9[%add3A_11, %dma_wait3A] : memref<10240x128xf32, #tpu.memory_space<vmem_shared>> -> memref<128x128xf32, #tpu.memory_space<vmem_shared>>
      %dma_wait3A_40 = arith.constant 0 : i32
      %dma_wait3A_41 = tpu.memref_slice %arg9[%add3A_11, %dma_wait3A_40] : memref<10240x128xf32, #tpu.memory_space<vmem_shared>> -> memref<128x128xf32, #tpu.memory_space<vmem_shared>>
      tpu.wait_dma2 semaphore(%run_scoped3A : memref<!tpu.dma_semaphore, #tpu.memory_space<semaphore_mem>>) src(%arg8 : memref<128x128xf32, #tpu.memory_space<vmem>>) dst(%dma_wait3A_41 : memref<128x128xf32, #tpu.memory_space<vmem_shared>>)
      tpu.yield
    }) : () -> ()
    %mul3A_12 = arith.constant 640 : i32
    %mul3A_13 = arith.muli %arg1, %mul3A_12 : i32
    %add3A_14 = arith.constant 256 : i32
    %add3A_15 = arith.addi %mul3A_13, %add3A_14 : i32
    "tpu.region"() ({
      %run_scoped3A = tpu.sem_alloc : memref<!tpu.dma_semaphore, #tpu.memory_space<semaphore_mem>>
      %dma_start3A = arith.constant 0 : i32
      %dma_start3A_36 = tpu.memref_slice %arg9[%add3A_15, %dma_start3A] : memref<10240x128xf32, #tpu.memory_space<vmem_shared>> -> memref<128x128xf32, #tpu.memory_space<vmem_shared>>
      %dma_start3A_37 = arith.constant 0 : i32
      %dma_start3A_38 = tpu.memref_slice %arg9[%add3A_15, %dma_start3A_37] : memref<10240x128xf32, #tpu.memory_space<vmem_shared>> -> memref<128x128xf32, #tpu.memory_space<vmem_shared>>
      tpu.enqueue_dma source(%arg8 : memref<128x128xf32, #tpu.memory_space<vmem>>) target(%dma_start3A_38 : memref<128x128xf32, #tpu.memory_space<vmem_shared>>) target_semaphore(%run_scoped3A : memref<!tpu.dma_semaphore, #tpu.memory_space<semaphore_mem>>)
      %dma_wait3A = arith.constant 0 : i32
      %dma_wait3A_39 = tpu.memref_slice %arg9[%add3A_15, %dma_wait3A] : memref<10240x128xf32, #tpu.memory_space<vmem_shared>> -> memref<128x128xf32, #tpu.memory_space<vmem_shared>>
      %dma_wait3A_40 = arith.constant 0 : i32
      %dma_wait3A_41 = tpu.memref_slice %arg9[%add3A_15, %dma_wait3A_40] : memref<10240x128xf32, #tpu.memory_space<vmem_shared>> -> memref<128x128xf32, #tpu.memory_space<vmem_shared>>
      tpu.wait_dma2 semaphore(%run_scoped3A : memref<!tpu.dma_semaphore, #tpu.memory_space<semaphore_mem>>) src(%arg8 : memref<128x128xf32, #tpu.memory_space<vmem>>) dst(%dma_wait3A_41 : memref<128x128xf32, #tpu.memory_space<vmem_shared>>)
      tpu.yield
    }) : () -> ()
    %mul3A_16 = arith.constant 640 : i32
    %mul3A_17 = arith.muli %arg1, %mul3A_16 : i32
    %add3A_18 = arith.constant 384 : i32
    %add3A_19 = arith.addi %mul3A_17, %add3A_18 : i32
    "tpu.region"() ({
      %run_scoped3A = tpu.sem_alloc : memref<!tpu.dma_semaphore, #tpu.memory_space<semaphore_mem>>
      %dma_start3A = arith.constant 0 : i32
      %dma_start3A_36 = tpu.memref_slice %arg9[%add3A_19, %dma_start3A] : memref<10240x128xf32, #tpu.memory_space<vmem_shared>> -> memref<128x128xf32, #tpu.memory_space<vmem_shared>>
      %dma_start3A_37 = arith.constant 0 : i32
      %dma_start3A_38 = tpu.memref_slice %arg9[%add3A_19, %dma_start3A_37] : memref<10240x128xf32, #tpu.memory_space<vmem_shared>> -> memref<128x128xf32, #tpu.memory_space<vmem_shared>>
      tpu.enqueue_dma source(%arg8 : memref<128x128xf32, #tpu.memory_space<vmem>>) target(%dma_start3A_38 : memref<128x128xf32, #tpu.memory_space<vmem_shared>>) target_semaphore(%run_scoped3A : memref<!tpu.dma_semaphore, #tpu.memory_space<semaphore_mem>>)
      %dma_wait3A = arith.constant 0 : i32
      %dma_wait3A_39 = tpu.memref_slice %arg9[%add3A_19, %dma_wait3A] : memref<10240x128xf32, #tpu.memory_space<vmem_shared>> -> memref<128x128xf32, #tpu.memory_space<vmem_shared>>
      %dma_wait3A_40 = arith.constant 0 : i32
      %dma_wait3A_41 = tpu.memref_slice %arg9[%add3A_19, %dma_wait3A_40] : memref<10240x128xf32, #tpu.memory_space<vmem_shared>> -> memref<128x128xf32, #tpu.memory_space<vmem_shared>>
      tpu.wait_dma2 semaphore(%run_scoped3A : memref<!tpu.dma_semaphore, #tpu.memory_space<semaphore_mem>>) src(%arg8 : memref<128x128xf32, #tpu.memory_space<vmem>>) dst(%dma_wait3A_41 : memref<128x128xf32, #tpu.memory_space<vmem_shared>>)
      tpu.yield
    }) : () -> ()
    %mul3A_20 = arith.constant 640 : i32
    %mul3A_21 = arith.muli %arg1, %mul3A_20 : i32
    %add3A_22 = arith.constant 512 : i32
    %add3A_23 = arith.addi %mul3A_21, %add3A_22 : i32
    "tpu.region"() ({
      %run_scoped3A = tpu.sem_alloc : memref<!tpu.dma_semaphore, #tpu.memory_space<semaphore_mem>>
      %dma_start3A = arith.constant 0 : i32
      %dma_start3A_36 = tpu.memref_slice %arg9[%add3A_23, %dma_start3A] : memref<10240x128xf32, #tpu.memory_space<vmem_shared>> -> memref<128x128xf32, #tpu.memory_space<vmem_shared>>
      %dma_start3A_37 = arith.constant 0 : i32
      %dma_start3A_38 = tpu.memref_slice %arg9[%add3A_23, %dma_start3A_37] : memref<10240x128xf32, #tpu.memory_space<vmem_shared>> -> memref<128x128xf32, #tpu.memory_space<vmem_shared>>
      tpu.enqueue_dma source(%arg8 : memref<128x128xf32, #tpu.memory_space<vmem>>) target(%dma_start3A_38 : memref<128x128xf32, #tpu.memory_space<vmem_shared>>) target_semaphore(%run_scoped3A : memref<!tpu.dma_semaphore, #tpu.memory_space<semaphore_mem>>)
      %dma_wait3A = arith.constant 0 : i32
      %dma_wait3A_39 = tpu.memref_slice %arg9[%add3A_23, %dma_wait3A] : memref<10240x128xf32, #tpu.memory_space<vmem_shared>> -> memref<128x128xf32, #tpu.memory_space<vmem_shared>>
      %dma_wait3A_40 = arith.constant 0 : i32
      %dma_wait3A_41 = tpu.memref_slice %arg9[%add3A_23, %dma_wait3A_40] : memref<10240x128xf32, #tpu.memory_space<vmem_shared>> -> memref<128x128xf32, #tpu.memory_space<vmem_shared>>
      tpu.wait_dma2 semaphore(%run_scoped3A : memref<!tpu.dma_semaphore, #tpu.memory_space<semaphore_mem>>) src(%arg8 : memref<128x128xf32, #tpu.memory_space<vmem>>) dst(%dma_wait3A_41 : memref<128x128xf32, #tpu.memory_space<vmem_shared>>)
      tpu.yield
    }) : () -> ()
    "tpu.region"() ({
      %run_scoped3A = tpu.sem_alloc : memref<!tpu.dma_semaphore, #tpu.memory_space<semaphore_mem>>
      %dma_start3A = arith.constant 0 : i32
      %dma_start3A_36 = arith.constant 0 : i32
      %dma_start3A_37 = tpu.memref_slice %arg3[%arg0, %arg1, %dma_start3A, %dma_start3A_36] : memref<2x16x79x128xi32, #tpu.memory_space<hbm>> -> memref<1x1x79x128xi32, #tpu.memory_space<hbm>>
      %dma_start3A_38 = tpu.memref_squeeze %dma_start3A_37 : memref<1x1x79x128xi32, #tpu.memory_space<hbm>> -> memref<79x128xi32, #tpu.memory_space<hbm>>
      %dma_start3A_39 = arith.constant 0 : i32
      %dma_start3A_40 = arith.constant 0 : i32
      %dma_start3A_41 = tpu.memref_slice %arg3[%arg0, %arg1, %dma_start3A_39, %dma_start3A_40] : memref<2x16x79x128xi32, #tpu.memory_space<hbm>> -> memref<1x1x79x128xi32, #tpu.memory_space<hbm>>
      %dma_start3A_42 = tpu.memref_squeeze %dma_start3A_41 : memref<1x1x79x128xi32, #tpu.memory_space<hbm>> -> memref<79x128xi32, #tpu.memory_space<hbm>>
      tpu.enqueue_dma source(%dma_start3A_42 : memref<79x128xi32, #tpu.memory_space<hbm>>) target(%arg6 : memref<79x128xi32, #tpu.memory_space<vmem>>) target_semaphore(%run_scoped3A : memref<!tpu.dma_semaphore, #tpu.memory_space<semaphore_mem>>)
      %dma_wait3A = arith.constant 0 : i32
      %dma_wait3A_43 = arith.constant 0 : i32
      %dma_wait3A_44 = tpu.memref_slice %arg3[%arg0, %arg1, %dma_wait3A, %dma_wait3A_43] : memref<2x16x79x128xi32, #tpu.memory_space<hbm>> -> memref<1x1x79x128xi32, #tpu.memory_space<hbm>>
      %dma_wait3A_45 = tpu.memref_squeeze %dma_wait3A_44 : memref<1x1x79x128xi32, #tpu.memory_space<hbm>> -> memref<79x128xi32, #tpu.memory_space<hbm>>
      %dma_wait3A_46 = arith.constant 0 : i32
      %dma_wait3A_47 = arith.constant 0 : i32
      %dma_wait3A_48 = tpu.memref_slice %arg3[%arg0, %arg1, %dma_wait3A_46, %dma_wait3A_47] : memref<2x16x79x128xi32, #tpu.memory_space<hbm>> -> memref<1x1x79x128xi32, #tpu.memory_space<hbm>>
      %dma_wait3A_49 = tpu.memref_squeeze %dma_wait3A_48 : memref<1x1x79x128xi32, #tpu.memory_space<hbm>> -> memref<79x128xi32, #tpu.memory_space<hbm>>
      tpu.wait_dma2 semaphore(%run_scoped3A : memref<!tpu.dma_semaphore, #tpu.memory_space<semaphore_mem>>) src(%dma_wait3A_49 : memref<79x128xi32, #tpu.memory_space<hbm>>) dst(%arg6 : memref<79x128xi32, #tpu.memory_space<vmem>>)
      tpu.yield
    }) : () -> ()
    "tpu.region"() ({
      %run_scoped3A = tpu.sem_alloc : memref<!tpu.dma_semaphore, #tpu.memory_space<semaphore_mem>>
      %dma_start3A = arith.constant 0 : i32
      %dma_start3A_36 = arith.constant 0 : i32
      %dma_start3A_37 = tpu.memref_slice %arg4[%arg0, %arg1, %dma_start3A, %dma_start3A_36] : memref<2x16x79x128xi32, #tpu.memory_space<hbm>> -> memref<1x1x79x128xi32, #tpu.memory_space<hbm>>
      %dma_start3A_38 = tpu.memref_squeeze %dma_start3A_37 : memref<1x1x79x128xi32, #tpu.memory_space<hbm>> -> memref<79x128xi32, #tpu.memory_space<hbm>>
      %dma_start3A_39 = arith.constant 0 : i32
      %dma_start3A_40 = arith.constant 0 : i32
      %dma_start3A_41 = tpu.memref_slice %arg4[%arg0, %arg1, %dma_start3A_39, %dma_start3A_40] : memref<2x16x79x128xi32, #tpu.memory_space<hbm>> -> memref<1x1x79x128xi32, #tpu.memory_space<hbm>>
      %dma_start3A_42 = tpu.memref_squeeze %dma_start3A_41 : memref<1x1x79x128xi32, #tpu.memory_space<hbm>> -> memref<79x128xi32, #tpu.memory_space<hbm>>
      tpu.enqueue_dma source(%dma_start3A_42 : memref<79x128xi32, #tpu.memory_space<hbm>>) target(%arg7 : memref<79x128xi32, #tpu.memory_space<vmem>>) target_semaphore(%run_scoped3A : memref<!tpu.dma_semaphore, #tpu.memory_space<semaphore_mem>>)
      %dma_wait3A = arith.constant 0 : i32
      %dma_wait3A_43 = arith.constant 0 : i32
      %dma_wait3A_44 = tpu.memref_slice %arg4[%arg0, %arg1, %dma_wait3A, %dma_wait3A_43] : memref<2x16x79x128xi32, #tpu.memory_space<hbm>> -> memref<1x1x79x128xi32, #tpu.memory_space<hbm>>
      %dma_wait3A_45 = tpu.memref_squeeze %dma_wait3A_44 : memref<1x1x79x128xi32, #tpu.memory_space<hbm>> -> memref<79x128xi32, #tpu.memory_space<hbm>>
      %dma_wait3A_46 = arith.constant 0 : i32
      %dma_wait3A_47 = arith.constant 0 : i32
      %dma_wait3A_48 = tpu.memref_slice %arg4[%arg0, %arg1, %dma_wait3A_46, %dma_wait3A_47] : memref<2x16x79x128xi32, #tpu.memory_space<hbm>> -> memref<1x1x79x128xi32, #tpu.memory_space<hbm>>
      %dma_wait3A_49 = tpu.memref_squeeze %dma_wait3A_48 : memref<1x1x79x128xi32, #tpu.memory_space<hbm>> -> memref<79x128xi32, #tpu.memory_space<hbm>>
      tpu.wait_dma2 semaphore(%run_scoped3A : memref<!tpu.dma_semaphore, #tpu.memory_space<semaphore_mem>>) src(%dma_wait3A_49 : memref<79x128xi32, #tpu.memory_space<hbm>>) dst(%arg7 : memref<79x128xi32, #tpu.memory_space<vmem>>)
      tpu.yield
    }) : () -> ()
    %barrier3A = arith.constant 0 : index
    tpu.barrier barrier_id(%barrier3A)
    %scan3A_24 = arith.constant 0 : i32
    %scan3A_25 = arith.constant 0 : i32
    %scan3A_26 = arith.constant 79 : i32
    %scan3A_27 = arith.addi %scan3A_25, %scan3A_26 : i32
    %scan3A_28 = arith.constant 1 : i32
    %scan3A_29 = scf.for %scan3A_36 = %scan3A_25 to %scan3A_27 step %scan3A_28 iter_args(%scan3A_37 = %scan3A_24) -> (i32)  : i32 {
      %dma_start3A = arith.constant 0 : i32
      %dma_start3A_38 = tpu.memref_slice %arg6[%scan3A_36, %dma_start3A] : memref<79x128xi32, #tpu.memory_space<vmem>> -> memref<1x128xi32, #tpu.memory_space<vmem>>
      %dma_start3A_39 = tpu.memref_squeeze %dma_start3A_38 : memref<1x128xi32, #tpu.memory_space<vmem>> -> memref<128xi32, #tpu.memory_space<vmem>>
      %dma_start3A_40 = arith.constant 0 : i32
      %dma_start3A_41 = arith.constant 0 : i32
      %dma_start3A_42 = tpu.memref_slice %arg2[%dma_start3A_40, %dma_start3A_41] : memref<10000x128xf32, #tpu.memory_space<hbm>> -> memref<10000x128xf32, #tpu.memory_space<hbm>>
      tpu.enqueue_indirect_dma source(%dma_start3A_42 : memref<10000x128xf32, #tpu.memory_space<hbm>>) target(%arg8 : memref<128x128xf32, #tpu.memory_space<vmem>>) offsets(%dma_start3A_39 : memref<128xi32, #tpu.memory_space<vmem>>) semaphore(%arg10 : memref<!tpu.dma_semaphore, #tpu.memory_space<semaphore_mem>>)
      %dma_wait3A = arith.constant 0 : i32
      %dma_wait3A_43 = tpu.memref_slice %arg6[%scan3A_36, %dma_wait3A] : memref<79x128xi32, #tpu.memory_space<vmem>> -> memref<1x128xi32, #tpu.memory_space<vmem>>
      %dma_wait3A_44 = tpu.memref_squeeze %dma_wait3A_43 : memref<1x128xi32, #tpu.memory_space<vmem>> -> memref<128xi32, #tpu.memory_space<vmem>>
      %dma_wait3A_45 = arith.constant 0 : i32
      %dma_wait3A_46 = arith.constant 0 : i32
      %dma_wait3A_47 = tpu.memref_slice %arg2[%dma_wait3A_45, %dma_wait3A_46] : memref<10000x128xf32, #tpu.memory_space<hbm>> -> memref<10000x128xf32, #tpu.memory_space<hbm>>
      tpu.wait_indirect_dma semaphore(%arg10 : memref<!tpu.dma_semaphore, #tpu.memory_space<semaphore_mem>>) src(%dma_wait3A_47 : memref<10000x128xf32, #tpu.memory_space<hbm>>) dst(%arg8 : memref<128x128xf32, #tpu.memory_space<vmem>>)
      "tpu.region"() ({
        %run_scoped3A = tpu.sem_alloc : memref<!tpu.dma_semaphore, #tpu.memory_space<semaphore_mem>>
        %dma_start3A_49 = arith.constant 0 : i32
        %dma_start3A_50 = tpu.memref_slice %arg7[%scan3A_36, %dma_start3A_49] : memref<79x128xi32, #tpu.memory_space<vmem>> -> memref<1x128xi32, #tpu.memory_space<vmem>>
        %dma_start3A_51 = tpu.memref_squeeze %dma_start3A_50 : memref<1x128xi32, #tpu.memory_space<vmem>> -> memref<128xi32, #tpu.memory_space<vmem>>
        %dma_start3A_52 = arith.constant 0 : i32
        %dma_start3A_53 = arith.constant 0 : i32
        %dma_start3A_54 = tpu.memref_slice %arg9[%dma_start3A_52, %dma_start3A_53] : memref<10240x128xf32, #tpu.memory_space<vmem_shared>> -> memref<10240x128xf32, #tpu.memory_space<vmem_shared>>
        tpu.enqueue_indirect_dma source(%arg8 : memref<128x128xf32, #tpu.memory_space<vmem>>) target(%dma_start3A_54 : memref<10240x128xf32, #tpu.memory_space<vmem_shared>>) offsets(%dma_start3A_51 : memref<128xi32, #tpu.memory_space<vmem>>) semaphore(%run_scoped3A : memref<!tpu.dma_semaphore, #tpu.memory_space<semaphore_mem>>) {add = true}
        %dma_wait3A_55 = arith.constant 0 : i32
        %dma_wait3A_56 = tpu.memref_slice %arg7[%scan3A_36, %dma_wait3A_55] : memref<79x128xi32, #tpu.memory_space<vmem>> -> memref<1x128xi32, #tpu.memory_space<vmem>>
        %dma_wait3A_57 = tpu.memref_squeeze %dma_wait3A_56 : memref<1x128xi32, #tpu.memory_space<vmem>> -> memref<128xi32, #tpu.memory_space<vmem>>
        %dma_wait3A_58 = arith.constant 0 : i32
        %dma_wait3A_59 = arith.constant 0 : i32
        %dma_wait3A_60 = tpu.memref_slice %arg9[%dma_wait3A_58, %dma_wait3A_59] : memref<10240x128xf32, #tpu.memory_space<vmem_shared>> -> memref<10240x128xf32, #tpu.memory_space<vmem_shared>>
        tpu.wait_indirect_dma semaphore(%run_scoped3A : memref<!tpu.dma_semaphore, #tpu.memory_space<semaphore_mem>>) src(%arg8 : memref<128x128xf32, #tpu.memory_space<vmem>>) dst(%dma_wait3A_60 : memref<10240x128xf32, #tpu.memory_space<vmem_shared>>)
        tpu.yield
      }) : () -> ()
      %scan3A_48 = arith.constant 0 : i32
      scf.yield %scan3A_48 : i32
    }
    %scan3A_30 = arith.constant 79 : i32
    %barrier3A_31 = arith.constant 0 : index
    tpu.barrier barrier_id(%barrier3A_31)
    %mul3A_32 = arith.constant 640 : i32
    %mul3A_33 = arith.muli %arg1, %mul3A_32 : i32
    %mul3A_34 = arith.constant 640 : i32
    %mul3A_35 = arith.muli %arg1, %mul3A_34 : i32
    "tpu.region"() ({
      %run_scoped3A = tpu.sem_alloc : memref<!tpu.dma_semaphore, #tpu.memory_space<semaphore_mem>>
      %dma_start3A = arith.constant 0 : i32
      %dma_start3A_36 = tpu.memref_slice %arg5[%arg0, %mul3A_35, %dma_start3A] : memref<2x10240x128xf32, #tpu.memory_space<hbm>> -> memref<1x640x128xf32, #tpu.memory_space<hbm>>
      %dma_start3A_37 = tpu.memref_squeeze %dma_start3A_36 : memref<1x640x128xf32, #tpu.memory_space<hbm>> -> memref<640x128xf32, #tpu.memory_space<hbm>>
      %dma_start3A_38 = arith.constant 0 : i32
      %dma_start3A_39 = tpu.memref_slice %arg9[%mul3A_33, %dma_start3A_38] : memref<10240x128xf32, #tpu.memory_space<vmem_shared>> -> memref<640x128xf32, #tpu.memory_space<vmem_shared>>
      tpu.enqueue_dma source(%dma_start3A_39 : memref<640x128xf32, #tpu.memory_space<vmem_shared>>) target(%dma_start3A_37 : memref<640x128xf32, #tpu.memory_space<hbm>>) target_semaphore(%run_scoped3A : memref<!tpu.dma_semaphore, #tpu.memory_space<semaphore_mem>>)
      %dma_wait3A = arith.constant 0 : i32
      %dma_wait3A_40 = tpu.memref_slice %arg5[%arg0, %mul3A_35, %dma_wait3A] : memref<2x10240x128xf32, #tpu.memory_space<hbm>> -> memref<1x640x128xf32, #tpu.memory_space<hbm>>
      %dma_wait3A_41 = tpu.memref_squeeze %dma_wait3A_40 : memref<1x640x128xf32, #tpu.memory_space<hbm>> -> memref<640x128xf32, #tpu.memory_space<hbm>>
      %dma_wait3A_42 = arith.constant 0 : i32
      %dma_wait3A_43 = tpu.memref_slice %arg9[%mul3A_33, %dma_wait3A_42] : memref<10240x128xf32, #tpu.memory_space<vmem_shared>> -> memref<640x128xf32, #tpu.memory_space<vmem_shared>>
      tpu.wait_dma2 semaphore(%run_scoped3A : memref<!tpu.dma_semaphore, #tpu.memory_space<semaphore_mem>>) src(%dma_wait3A_43 : memref<640x128xf32, #tpu.memory_space<vmem_shared>>) dst(%dma_wait3A_41 : memref<640x128xf32, #tpu.memory_space<hbm>>)
      tpu.yield
    }) : () -> ()
    return
  }
}

module attributes {stable_mosaic.version = 14 : i64} {
  func.func @_tc_y1_body(%arg0: i32, %arg1: memref<2x2000x16xf32, #tpu.memory_space<vmem>>, %arg2: memref<2000x128xf32, #tpu.memory_space<vmem>>, %arg3: memref<128x128xf32, #tpu.memory_space<vmem>>, %arg4: memref<2000x128xf32, #tpu.memory_space<vmem>>) attributes {dimension_semantics = [#tpu.dimension_semantics<arbitrary>], iteration_bounds = array<i64: 5>, scalar_prefetch = 0 : i64, scratch_operands = 0 : i64, tpu.core_type = #tpu.core_type<tc>, window_params = [{transform_indices = @transform_0, window_bounds = array<i64: 2, 2000, 16>}, {transform_indices = @transform_1, window_bounds = array<i64: 2000, 128>}, {pipeline_mode = #tpu.pipeline_mode<synchronous>, transform_indices = @transform_2, window_bounds = array<i64: 128, 128>}, {transform_indices = @transform_3, window_bounds = array<i64: 2000, 128>}]} {
    %get3A = arith.constant 0 : index
    %get3A_0 = arith.constant 0 : index
    %get3A_1 = arith.constant 0 : index
    %get3A_2 = vector.load %arg1[%get3A, %get3A_0, %get3A_1] : memref<2x2000x16xf32, #tpu.memory_space<vmem>>, vector<1x2000x1xf32>
    %get3A_3 = vector.shape_cast %get3A_2 : vector<1x2000x1xf32> to vector<2000x1xf32>
    %get3A_4 = arith.constant 1 : index
    %get3A_5 = arith.constant 0 : index
    %get3A_6 = arith.constant 0 : index
    %get3A_7 = vector.load %arg1[%get3A_4, %get3A_5, %get3A_6] : memref<2x2000x16xf32, #tpu.memory_space<vmem>>, vector<1x2000x1xf32>
    %get3A_8 = vector.shape_cast %get3A_7 : vector<1x2000x1xf32> to vector<2000x1xf32>
    %add3A = arith.addf %get3A_3, %get3A_8 : vector<2000x1xf32>
    %add3A_9 = arith.constant 1.000000e+00 : f32
    %add3A_10 = vector.broadcast %add3A_9 : f32 to vector<2000x1xf32>
    %add3A_11 = arith.addf %add3A, %add3A_10 : vector<2000x1xf32>
    %rsqrt3A = math.rsqrt %add3A_11 : vector<2000x1xf32>
    %get3A_12 = arith.constant 0 : index
    %get3A_13 = arith.constant 0 : index
    %get3A_14 = vector.load %arg2[%get3A_12, %get3A_13] : memref<2000x128xf32, #tpu.memory_space<vmem>>, vector<2000x128xf32>
    %get3A_15 = arith.constant 0 : index
    %get3A_16 = arith.constant 0 : index
    %get3A_17 = vector.load %arg3[%get3A_15, %get3A_16] : memref<128x128xf32, #tpu.memory_space<vmem>>, vector<128x128xf32>
    %dot_general3A = arith.constant dense<0.000000e+00> : vector<2000x128xf32>
    %dot_general3A_18 = tpu.matmul %get3A_14, %get3A_17, %dot_general3A {dimension_numbers = #tpu.dot_dimension_numbers<[1], [0], [0], [1], [0, 0, 1, 1], [], []>, transpose_lhs_hint = false} : vector<2000x128xf32>, vector<128x128xf32>, vector<2000x128xf32> -> vector<2000x128xf32>
    %mul3A = vector.broadcast %rsqrt3A : vector<2000x1xf32> to vector<2000x128xf32>
    %mul3A_19 = arith.mulf %mul3A, %dot_general3A_18 : vector<2000x128xf32>
    %swap3A = arith.constant 0 : index
    %swap3A_20 = arith.constant 0 : index
    %swap3A_21 = vector.load %arg4[%swap3A, %swap3A_20] : memref<2000x128xf32, #tpu.memory_space<vmem>>, vector<2000x128xf32>
    tpu.vector_store %arg4[%swap3A, %swap3A_20], %mul3A_19 {strides = array<i32>} : memref<2000x128xf32, #tpu.memory_space<vmem>>, vector<2000x128xf32>,
    return
  }
  func.func @transform_0(%arg0: i32) -> (i32, i32, i32) {
    %c0_i32 = arith.constant 0 : i32
    %c0_i32_0 = arith.constant 0 : i32
    %c0_i32_1 = arith.constant 0 : i32
    return %c0_i32, %arg0, %c0_i32_0 : i32, i32, i32
  }
  func.func @transform_1(%arg0: i32) -> (i32, i32) {
    %c0_i32 = arith.constant 0 : i32
    %c0_i32_0 = arith.constant 0 : i32
    return %arg0, %c0_i32 : i32, i32
  }
  func.func @transform_2(%arg0: i32) -> (i32, i32) {
    %c0_i32 = arith.constant 0 : i32
    %c0_i32_0 = arith.constant 0 : i32
    %c0_i32_1 = arith.constant 0 : i32
    return %c0_i32, %c0_i32_0 : i32, i32
  }
  func.func @transform_3(%arg0: i32) -> (i32, i32) {
    %c0_i32 = arith.constant 0 : i32
    %c0_i32_0 = arith.constant 0 : i32
    return %arg0, %c0_i32 : i32, i32
  }
}

module attributes {stable_mosaic.version = 14 : i64} {
  func.func @_tc_out_body(%arg0: i32, %arg1: memref<2x2000x16xf32, #tpu.memory_space<vmem>>, %arg2: memref<2x2000x128xf32, #tpu.memory_space<vmem>>, %arg3: memref<2000x128xf32, #tpu.memory_space<vmem>>, %arg4: memref<64xf32, #tpu.memory_space<vmem>>, %arg5: memref<2000x64xf32, #tpu.memory_space<vmem>>) attributes {dimension_semantics = [#tpu.dimension_semantics<arbitrary>], iteration_bounds = array<i64: 5>, scalar_prefetch = 0 : i64, scratch_operands = 0 : i64, tpu.core_type = #tpu.core_type<tc>, window_params = [{transform_indices = @transform_0, window_bounds = array<i64: 2, 2000, 16>}, {transform_indices = @transform_1, window_bounds = array<i64: 2, 2000, 128>}, {transform_indices = @transform_2, window_bounds = array<i64: 2000, 128>}, {pipeline_mode = #tpu.pipeline_mode<synchronous>, transform_indices = @transform_3, window_bounds = array<i64: 64>}, {transform_indices = @transform_4, window_bounds = array<i64: 2000, 64>}]} {
    %get3A = arith.constant 0 : index
    %get3A_0 = arith.constant 0 : index
    %get3A_1 = arith.constant 0 : index
    %get3A_2 = vector.load %arg1[%get3A, %get3A_0, %get3A_1] : memref<2x2000x16xf32, #tpu.memory_space<vmem>>, vector<1x2000x1xf32>
    %get3A_3 = vector.shape_cast %get3A_2 : vector<1x2000x1xf32> to vector<2000x1xf32>
    %get3A_4 = arith.constant 1 : index
    %get3A_5 = arith.constant 0 : index
    %get3A_6 = arith.constant 0 : index
    %get3A_7 = vector.load %arg1[%get3A_4, %get3A_5, %get3A_6] : memref<2x2000x16xf32, #tpu.memory_space<vmem>>, vector<1x2000x1xf32>
    %get3A_8 = vector.shape_cast %get3A_7 : vector<1x2000x1xf32> to vector<2000x1xf32>
    %add3A = arith.addf %get3A_3, %get3A_8 : vector<2000x1xf32>
    %add3A_9 = arith.constant 1.000000e+00 : f32
    %add3A_10 = vector.broadcast %add3A_9 : f32 to vector<2000x1xf32>
    %add3A_11 = arith.addf %add3A, %add3A_10 : vector<2000x1xf32>
    %rsqrt3A = math.rsqrt %add3A_11 : vector<2000x1xf32>
    %get3A_12 = arith.constant 0 : index
    %get3A_13 = arith.constant 0 : index
    %get3A_14 = arith.constant 0 : index
    %get3A_15 = vector.load %arg2[%get3A_12, %get3A_13, %get3A_14] : memref<2x2000x128xf32, #tpu.memory_space<vmem>>, vector<1x2000x64xf32>
    %get3A_16 = vector.shape_cast %get3A_15 : vector<1x2000x64xf32> to vector<2000x64xf32>
    %get3A_17 = arith.constant 1 : index
    %get3A_18 = arith.constant 0 : index
    %get3A_19 = arith.constant 0 : index
    %get3A_20 = vector.load %arg2[%get3A_17, %get3A_18, %get3A_19] : memref<2x2000x128xf32, #tpu.memory_space<vmem>>, vector<1x2000x64xf32>
    %get3A_21 = vector.shape_cast %get3A_20 : vector<1x2000x64xf32> to vector<2000x64xf32>
    %add3A_22 = arith.addf %get3A_16, %get3A_21 : vector<2000x64xf32>
    %get3A_23 = arith.constant 0 : index
    %get3A_24 = arith.constant 0 : index
    %get3A_25 = vector.load %arg3[%get3A_23, %get3A_24] : memref<2000x128xf32, #tpu.memory_space<vmem>>, vector<2000x64xf32>
    %add3A_26 = arith.addf %add3A_22, %get3A_25 : vector<2000x64xf32>
    %mul3A = vector.broadcast %rsqrt3A : vector<2000x1xf32> to vector<2000x64xf32>
    %mul3A_27 = arith.mulf %mul3A, %add3A_26 : vector<2000x64xf32>
    %get3A_28 = arith.constant 0 : index
    %get3A_29 = vector.load %arg4[%get3A_28] : memref<64xf32, #tpu.memory_space<vmem>>, vector<64xf32>
    %broadcast_in_dim3A = vector.shape_cast %get3A_29 : vector<64xf32> to vector<1x64xf32>
    %add3A_30 = vector.broadcast %broadcast_in_dim3A : vector<1x64xf32> to vector<2000x64xf32>
    %add3A_31 = arith.addf %mul3A_27, %add3A_30 : vector<2000x64xf32>
    %reduce_max3A = arith.constant dense<0xFF800000> : vector<2000xf32>
    %reduce_max3A_32 = vector.multi_reduction <maximumf>, %add3A_31, %reduce_max3A [1] : vector<2000x64xf32> to vector<2000xf32>
    %broadcast_in_dim3A_33 = vector.shape_cast %reduce_max3A_32 : vector<2000xf32> to vector<2000x1xf32>
    %sub3A = vector.broadcast %broadcast_in_dim3A_33 : vector<2000x1xf32> to vector<2000x64xf32>
    %sub3A_34 = arith.subf %add3A_31, %sub3A : vector<2000x64xf32>
    %exp3A = math.exp %sub3A_34 : vector<2000x64xf32>
    %reduce_sum3A = arith.constant dense<0.000000e+00> : vector<2000xf32>
    %reduce_sum3A_35 = vector.multi_reduction <add>, %exp3A, %reduce_sum3A [1] : vector<2000x64xf32> to vector<2000xf32>
    %broadcast_in_dim3A_36 = vector.shape_cast %reduce_sum3A_35 : vector<2000xf32> to vector<2000x1xf32>
    %div3A = vector.broadcast %broadcast_in_dim3A_36 : vector<2000x1xf32> to vector<2000x64xf32>
    %div3A_37 = arith.divf %exp3A, %div3A : vector<2000x64xf32>
    %swap3A = arith.constant 0 : index
    %swap3A_38 = arith.constant 0 : index
    %swap3A_39 = vector.load %arg5[%swap3A, %swap3A_38] : memref<2000x64xf32, #tpu.memory_space<vmem>>, vector<2000x64xf32>
    tpu.vector_store %arg5[%swap3A, %swap3A_38], %div3A_37 {strides = array<i32>} : memref<2000x64xf32, #tpu.memory_space<vmem>>, vector<2000x64xf32>,
    return
  }
  func.func @transform_0(%arg0: i32) -> (i32, i32, i32) {
    %c0_i32 = arith.constant 0 : i32
    %c0_i32_0 = arith.constant 0 : i32
    %c0_i32_1 = arith.constant 0 : i32
    return %c0_i32, %arg0, %c0_i32_0 : i32, i32, i32
  }
  func.func @transform_1(%arg0: i32) -> (i32, i32, i32) {
    %c0_i32 = arith.constant 0 : i32
    %c0_i32_0 = arith.constant 0 : i32
    %c0_i32_1 = arith.constant 0 : i32
    return %c0_i32, %arg0, %c0_i32_0 : i32, i32, i32
  }
  func.func @transform_2(%arg0: i32) -> (i32, i32) {
    %c0_i32 = arith.constant 0 : i32
    %c0_i32_0 = arith.constant 0 : i32
    return %arg0, %c0_i32 : i32, i32
  }
  func.func @transform_3(%arg0: i32) -> i32 {
    %c0_i32 = arith.constant 0 : i32
    %c0_i32_0 = arith.constant 0 : i32
    return %c0_i32 : i32
  }
  func.func @transform_4(%arg0: i32) -> (i32, i32) {
    %c0_i32 = arith.constant 0 : i32
    %c0_i32_0 = arith.constant 0 : i32
    return %arg0, %c0_i32 : i32, i32
  }
}

module attributes {stable_mosaic.version = 14 : i64} {
  func.func @_tc_mid_body(%arg0: i32, %arg1: memref<2x2000x16xf32, #tpu.memory_space<vmem>>, %arg2: memref<2x2000x128xf32, #tpu.memory_space<vmem>>, %arg3: memref<2000x128xf32, #tpu.memory_space<vmem>>, %arg4: memref<128xf32, #tpu.memory_space<vmem>>, %arg5: memref<128x64xf32, #tpu.memory_space<vmem>>, %arg6: memref<2000x128xf32, #tpu.memory_space<vmem>>) attributes {dimension_semantics = [#tpu.dimension_semantics<arbitrary>], iteration_bounds = array<i64: 5>, scalar_prefetch = 0 : i64, scratch_operands = 0 : i64, tpu.core_type = #tpu.core_type<tc>, window_params = [{transform_indices = @transform_0, window_bounds = array<i64: 2, 2000, 16>}, {transform_indices = @transform_1, window_bounds = array<i64: 2, 2000, 128>}, {transform_indices = @transform_2, window_bounds = array<i64: 2000, 128>}, {pipeline_mode = #tpu.pipeline_mode<synchronous>, transform_indices = @transform_3, window_bounds = array<i64: 128>}, {pipeline_mode = #tpu.pipeline_mode<synchronous>, transform_indices = @transform_4, window_bounds = array<i64: 128, 64>}, {transform_indices = @transform_5, window_bounds = array<i64: 2000, 128>}]} {
    %get3A = arith.constant 0 : index
    %get3A_0 = arith.constant 0 : index
    %get3A_1 = arith.constant 0 : index
    %get3A_2 = vector.load %arg1[%get3A, %get3A_0, %get3A_1] : memref<2x2000x16xf32, #tpu.memory_space<vmem>>, vector<1x2000x1xf32>
    %get3A_3 = vector.shape_cast %get3A_2 : vector<1x2000x1xf32> to vector<2000x1xf32>
    %get3A_4 = arith.constant 1 : index
    %get3A_5 = arith.constant 0 : index
    %get3A_6 = arith.constant 0 : index
    %get3A_7 = vector.load %arg1[%get3A_4, %get3A_5, %get3A_6] : memref<2x2000x16xf32, #tpu.memory_space<vmem>>, vector<1x2000x1xf32>
    %get3A_8 = vector.shape_cast %get3A_7 : vector<1x2000x1xf32> to vector<2000x1xf32>
    %add3A = arith.addf %get3A_3, %get3A_8 : vector<2000x1xf32>
    %add3A_9 = arith.constant 1.000000e+00 : f32
    %add3A_10 = vector.broadcast %add3A_9 : f32 to vector<2000x1xf32>
    %add3A_11 = arith.addf %add3A, %add3A_10 : vector<2000x1xf32>
    %rsqrt3A = math.rsqrt %add3A_11 : vector<2000x1xf32>
    %get3A_12 = arith.constant 0 : index
    %get3A_13 = arith.constant 0 : index
    %get3A_14 = arith.constant 0 : index
    %get3A_15 = vector.load %arg2[%get3A_12, %get3A_13, %get3A_14] : memref<2x2000x128xf32, #tpu.memory_space<vmem>>, vector<1x2000x128xf32>
    %get3A_16 = vector.shape_cast %get3A_15 : vector<1x2000x128xf32> to vector<2000x128xf32>
    %get3A_17 = arith.constant 1 : index
    %get3A_18 = arith.constant 0 : index
    %get3A_19 = arith.constant 0 : index
    %get3A_20 = vector.load %arg2[%get3A_17, %get3A_18, %get3A_19] : memref<2x2000x128xf32, #tpu.memory_space<vmem>>, vector<1x2000x128xf32>
    %get3A_21 = vector.shape_cast %get3A_20 : vector<1x2000x128xf32> to vector<2000x128xf32>
    %add3A_22 = arith.addf %get3A_16, %get3A_21 : vector<2000x128xf32>
    %get3A_23 = arith.constant 0 : index
    %get3A_24 = arith.constant 0 : index
    %get3A_25 = vector.load %arg3[%get3A_23, %get3A_24] : memref<2000x128xf32, #tpu.memory_space<vmem>>, vector<2000x128xf32>
    %add3A_26 = arith.addf %add3A_22, %get3A_25 : vector<2000x128xf32>
    %mul3A = vector.broadcast %rsqrt3A : vector<2000x1xf32> to vector<2000x128xf32>
    %mul3A_27 = arith.mulf %mul3A, %add3A_26 : vector<2000x128xf32>
    %get3A_28 = arith.constant 0 : index
    %get3A_29 = vector.load %arg4[%get3A_28] : memref<128xf32, #tpu.memory_space<vmem>>, vector<128xf32>
    %broadcast_in_dim3A = vector.shape_cast %get3A_29 : vector<128xf32> to vector<1x128xf32>
    %add3A_30 = vector.broadcast %broadcast_in_dim3A : vector<1x128xf32> to vector<2000x128xf32>
    %add3A_31 = arith.addf %mul3A_27, %add3A_30 : vector<2000x128xf32>
    %gt3A = arith.constant 0.000000e+00 : f32
    %gt3A_32 = vector.broadcast %gt3A : f32 to vector<2000x128xf32>
    %gt3A_33 = arith.cmpf ogt, %add3A_31, %gt3A_32 : vector<2000x128xf32>
    %exp3A = math.exp %add3A_31 : vector<2000x128xf32>
    %sub3A = arith.constant 1.000000e+00 : f32
    %sub3A_34 = vector.broadcast %sub3A : f32 to vector<2000x128xf32>
    %sub3A_35 = arith.subf %exp3A, %sub3A_34 : vector<2000x128xf32>
    %mul3A_36 = arith.constant 1.67326319 : f32
    %mul3A_37 = vector.broadcast %mul3A_36 : f32 to vector<2000x128xf32>
    %mul3A_38 = arith.mulf %mul3A_37, %sub3A_35 : vector<2000x128xf32>
    %select_n3A = arith.select %gt3A_33, %add3A_31, %mul3A_38 : vector<2000x128xi1>, vector<2000x128xf32>
    %mul3A_39 = arith.constant 1.05070102 : f32
    %mul3A_40 = vector.broadcast %mul3A_39 : f32 to vector<2000x128xf32>
    %mul3A_41 = arith.mulf %mul3A_40, %select_n3A : vector<2000x128xf32>
    %get3A_42 = arith.constant 0 : index
    %get3A_43 = arith.constant 0 : index
    %get3A_44 = vector.load %arg5[%get3A_42, %get3A_43] : memref<128x64xf32, #tpu.memory_space<vmem>>, vector<128x64xf32>
    %dot_general3A = arith.constant dense<0.000000e+00> : vector<2000x64xf32>
    %dot_general3A_45 = tpu.matmul %mul3A_41, %get3A_44, %dot_general3A {dimension_numbers = #tpu.dot_dimension_numbers<[1], [0], [0], [1], [0, 0, 1, 1], [], []>, transpose_lhs_hint = false} : vector<2000x128xf32>, vector<128x64xf32>, vector<2000x64xf32> -> vector<2000x64xf32>
    %mul3A_46 = vector.broadcast %rsqrt3A : vector<2000x1xf32> to vector<2000x64xf32>
    %mul3A_47 = arith.mulf %mul3A_46, %dot_general3A_45 : vector<2000x64xf32>
    %broadcast_in_dim3A_48 = arith.constant 0.000000e+00 : f32
    %broadcast_in_dim3A_49 = vector.broadcast %broadcast_in_dim3A_48 : f32 to vector<2000x64xf32>
    %concatenate3A = tpu.concatenate %mul3A_47, %broadcast_in_dim3A_49 in 1 : vector<2000x64xf32>, vector<2000x64xf32> -> vector<2000x128xf32>
    %swap3A = arith.constant 0 : index
    %swap3A_50 = arith.constant 0 : index
    %swap3A_51 = vector.load %arg6[%swap3A, %swap3A_50] : memref<2000x128xf32, #tpu.memory_space<vmem>>, vector<2000x128xf32>
    tpu.vector_store %arg6[%swap3A, %swap3A_50], %concatenate3A {strides = array<i32>} : memref<2000x128xf32, #tpu.memory_space<vmem>>, vector<2000x128xf32>,
    return
  }
  func.func @transform_0(%arg0: i32) -> (i32, i32, i32) {
    %c0_i32 = arith.constant 0 : i32
    %c0_i32_0 = arith.constant 0 : i32
    %c0_i32_1 = arith.constant 0 : i32
    return %c0_i32, %arg0, %c0_i32_0 : i32, i32, i32
  }
  func.func @transform_1(%arg0: i32) -> (i32, i32, i32) {
    %c0_i32 = arith.constant 0 : i32
    %c0_i32_0 = arith.constant 0 : i32
    %c0_i32_1 = arith.constant 0 : i32
    return %c0_i32, %arg0, %c0_i32_0 : i32, i32, i32
  }
  func.func @transform_2(%arg0: i32) -> (i32, i32) {
    %c0_i32 = arith.constant 0 : i32
    %c0_i32_0 = arith.constant 0 : i32
    return %arg0, %c0_i32 : i32, i32
  }
  func.func @transform_3(%arg0: i32) -> i32 {
    %c0_i32 = arith.constant 0 : i32
    %c0_i32_0 = arith.constant 0 : i32
    return %c0_i32 : i32
  }
  func.func @transform_4(%arg0: i32) -> (i32, i32) {
    %c0_i32 = arith.constant 0 : i32
    %c0_i32_0 = arith.constant 0 : i32
    %c0_i32_1 = arith.constant 0 : i32
    return %c0_i32, %c0_i32_0 : i32, i32
  }
  func.func @transform_5(%arg0: i32) -> (i32, i32) {
    %c0_i32 = arith.constant 0 : i32
    %c0_i32_0 = arith.constant 0 : i32
    return %arg0, %c0_i32 : i32, i32
  }
}

</mosaic_0001>

<sc_bundles>
// kernel: kernel.11.cloned.1.call-start
scs
__scs_entry_jumppad:
0x0: {  	(pc) =	sbr.rel $0x88, $3  }
0x1: {  	(tag) =	ssettag $0x0;
	lr =	simm.s32 $0x1  }
0x2: {  	[smem:$0x3F9B] =	sst lr;
	_ =	strace $0xD0000000  }
0x3: {  	_ = 	snop  }
0x4: {  	_ = 	snop  }
0x5: {  	_ = 	snop  }
0x6: {  	_ = 	snop  }
0x7: {  	_ = 	snop  }
__scs_overlays_trampoline_lowered:
0x8: {  	[smem:$0x3FAA] =	sst s0  }
0x9: {  	[smem:$0x3FAB] =	sst s1  }
0xa: {  	[smem:$0x3FAC] =	sst s2  }
0xb: {  	[smem:$0x3FAD] =	sst s3  }
0xc: {  	[smem:$0x3FAE] =	sst s4  }
0xd: {  	[smem:$0x3FAF] =	sst s5  }
0xe: {  	[smem:$0x3FB0] =	sst s6  }
0xf: {  	[smem:$0x3FB1] =	sst s7  }
0x10: {  	[smem:$0x3FB2] =	sst s8  }
0x11: {  	[smem:$0x3FB3] =	sst s9;
	s0 =	simm.s32 @!p0 $0x0  }
0x12: {  	s1 =	sld [smem:$0x3F99];
	s0 =	simm.s32 @p0 $0x1  }
0x13: {  	[smem:$0x3FB4] =	sst s0;
	s0 =	simm.s32 @!p1 $0x0  }
0x14: {  	s2 =	sld [smem:$0x3F98];
	s0 =	simm.s32 @p1 $0x1  }
0x15: {  	[smem:$0x3FB5] =	sst s0;
	s0 =	simm.s32 @!p2 $0x0  }
0x16: {  	s3 =	sld [smem:$0x3FDB];
	s0 =	simm.s32 @p2 $0x1  }
0x17: {  	s4 =	simm.s32 $0x1BF5;
	[smem:$0x3FB7] =	sst s0  }
0x18: {  	s0 =	sld [smem:$0x3F9A];
	_ =	swait.ge [sflag:s4], $0x0  }
0x19: {  	s7 =	sld [smem:$0x3F9B]  }
0x1a: {  	s8 =	sadd.s32 $0xFFFFE003, lr  }
0x1b: {  	s9 =	sadd.s32 $0xFFFFFEF7, lr;
	s5 =	simm.s32 $0xFFFFFFFF;
	p2 =	slt.u32 s8, $0xFFFFF086  }
0x1c: {  	p1 =	slt.u32 s9, $0xF7A;
	s5 =	simm.s32 @!p2 $0x0  }
0x1d: {  	s5 =	simm.s32 @p1 $0x1;
	p0 =	seq.s32 s7, s2  }
0x1e: {  	s7 =	smul.u32 @!p0 $0xF7A, s2;
	p2 =	seq.s32 @!p0 s5, $0x0  }
0x1f: {  	s9 =	smul.u32 $0xF7A, s1;
	s8 =	simm.s32 @!p0 $0x1BF5;
	p2 =	por !p2, p0  }
0x20: {  	[sflag:s8] =	ssyncset.s32 @!p0 $0xFFFFF086;
	s6 =	sadd.s32 @!p0 s3, s7;
	s7 =	simm.s32 @!p0 $0x108  }
0x21: {  	s3 =	sadd.s32 s3, s9;
	s6 =	sadd.s32 @!p0 $0x88, s6;
	s7 =	simm.s32 @p2 $0x1082  }
0x22: {  	[simem:s7], [sflag:s8] =	dma.local @!p0 [hbm:s6], $0xF7A  }
0x23: {  	s9 =	sor.u32 $0xD0000000, s2;
	s6 =	simm.s32 $0x108;
	_ =	swait.ge @!p0 [sflag:s8], $0x0  }
0x24: {  	s3 =	sadd.s32 $0x88, s3;
	s6 =	simm.s32 @!p1 $0x1082;
	[sflag:s4] =	ssyncset.s32 $0xFFFFF086  }
0x25: {  	[simem:s6], [sflag:s4] =	dma.local [hbm:s3], $0xF7A  }
0x26: {  	[smem:$0x3F9B] =	sst s1;
	(tag) =	ssettag s2;
	_ =	strace s9  }
0x27: {  	s1 =	sld [smem:$0x3FAB]  }
0x28: {  	s2 =	sld [smem:$0x3FAC]  }
0x29: {  	s4 =	sld [smem:$0x3FAE]  }
0x2a: {  	p0 =	seq.s32 s5, $0x0;
	s5 =	sld [smem:$0x3FAF]  }
0x2b: {  	s6 =	sld [smem:$0x3FB0]  }
0x2c: {  	s7 =	sld [smem:$0x3FB1]  }
0x2d: {  	s3 =	simm.s32 $0x108;
	s8 =	sld [smem:$0x3FB2]  }
0x2e: {  	s3 =	simm.s32 @!p0 $0x1082;
	s9 =	sld [smem:$0x3FB3]  }
0x2f: {  	lr =	sadd.s32 s0, s3;
	s0 =	sld [smem:$0x3FAA]  }
0x30: {  	s3 =	sld [smem:$0x3FAD]  }
0x31: {  	[smem:$0x3FB6] =	sst s10  }
0x32: {  	s10 =	sld [smem:$0x3FB4];
	_ =	sdelay $0x3  }
0x33: {  	p0 =	seq.s32 s10, $0x1;
	s10 =	sld [smem:$0x3FB6];
	_ =	sdelay $0x3  }
0x34: {  	[smem:$0x3FB6] =	sst s10  }
0x35: {  	s10 =	sld [smem:$0x3FB5];
	_ =	sdelay $0x3  }
0x36: {  	p1 =	seq.s32 s10, $0x1;
	s10 =	sld [smem:$0x3FB6];
	_ =	sdelay $0x3  }
0x37: {  	[smem:$0x3FB6] =	sst s10  }
0x38: {  	s10 =	sld [smem:$0x3FB7]  }
0x39: {  	_ = 	snop;
	(pc) =	sbr.ind lr, $3  }
0x3a: {  	_ = 	snop  }
0x3b: {  	_ = 	snop  }
0x3c: {  	p2 =	seq.s32 s10, $0x1;
	s10 =	sld [smem:$0x3FB6]  }
0x3d: {  	_ =	shalt  }
0x3e: {  	_ =	shalt  }
0x3f: {  	_ =	shalt  }
0x40: {  	_ =	shalt  }
0x41: {  	_ =	shalt  }
0x42: {  	_ =	shalt  }
0x43: {  	_ =	shalt  }
0x44: {  	_ =	shalt  }
0x45: {  	_ =	shalt  }
0x46: {  	_ =	shalt  }
0x47: {  	_ =	shalt  }
0x48: {  	_ =	shalt  }
0x49: {  	_ =	shalt  }
0x4a: {  	_ =	shalt  }
0x4b: {  	_ =	shalt  }
0x4c: {  	_ =	shalt  }
0x4d: {  	_ =	shalt  }
0x4e: {  	_ =	shalt  }
0x4f: {  	_ =	shalt  }
0x50: {  	_ =	shalt  }
0x51: {  	_ =	shalt  }
0x52: {  	_ =	shalt  }
0x53: {  	_ =	shalt  }
0x54: {  	_ =	shalt  }
0x55: {  	_ =	shalt  }
0x56: {  	_ =	shalt  }
0x57: {  	_ =	shalt  }
0x58: {  	_ =	shalt  }
0x59: {  	_ =	shalt  }
0x5a: {  	_ =	shalt  }
0x5b: {  	_ =	shalt  }
0x5c: {  	_ =	shalt  }
0x5d: {  	_ =	shalt  }
0x5e: {  	_ =	shalt  }
0x5f: {  	_ =	shalt  }
0x60: {  	_ =	shalt  }
0x61: {  	_ =	shalt  }
0x62: {  	_ =	shalt  }
0x63: {  	_ =	shalt  }
0x64: {  	_ =	shalt  }
0x65: {  	_ =	shalt  }
0x66: {  	_ =	shalt  }
0x67: {  	_ =	shalt  }
0x68: {  	_ =	shalt  }
0x69: {  	_ =	shalt  }
0x6a: {  	_ =	shalt  }
0x6b: {  	_ =	shalt  }
0x6c: {  	_ =	shalt  }
0x6d: {  	_ =	shalt  }
0x6e: {  	_ =	shalt  }
0x6f: {  	_ =	shalt  }
0x70: {  	_ =	shalt  }
0x71: {  	_ =	shalt  }
0x72: {  	_ =	shalt  }
0x73: {  	_ =	shalt  }
0x74: {  	_ =	shalt  }
0x75: {  	_ =	shalt  }
0x76: {  	_ =	shalt  }
0x77: {  	_ =	shalt  }
0x78: {  	_ =	shalt  }
0x79: {  	_ =	shalt  }
0x7a: {  	_ =	shalt  }
0x7b: {  	_ =	shalt  }
0x7c: {  	_ =	shalt  }
0x7d: {  	_ =	shalt  }
0x7e: {  	_ =	shalt  }
0x7f: {  	_ =	shalt  }
0x80: {  	_ =	shalt  }
0x81: {  	_ =	shalt  }
0x82: {  	_ =	shalt  }
0x83: {  	_ =	shalt  }
0x84: {  	_ =	shalt  }
0x85: {  	_ =	shalt  }
0x86: {  	_ =	shalt  }
0x87: {  	_ =	shalt  }
.Lfunc_end0:
.L_simem_size_0:
called_computation.1_lowered:
.L_overlay_start_0:
0x88: {  	s2 =	sld [smem:$0x3FD9]  }
0x89: {  	s3 =	sld [smem:$0x3FFE];
	_ =	sdelay $0x1  }
0x8a: {  	s1 =	srdreg.scid  }
0x8b: {  	s0 =	sand.u32 $0x1, s1  }
0x8c: {  	s17 =	sshll.u32 s0, $0xA;
	s2 =	sadd.s32 s3, s2  }
0x8d: {  	s2 =	sadd.s32 s2, s17  }
0x8e: {  	[smem:$0x3FC2] =	sst s2  }
0x8f: {  	_ = 	snop  }
0x90: {  	s2 =	sld [smem:$0x3FD0];
	(tm) =	ssettm $0x1  }
0x91: {  	s18 =	sld [smem:$0x3FFB];
	_ =	sdelay $0x3  }
0x92: {  	_ =	strace s18  }
0x93: {  	s3 =	sld [smem:$0x3FFC];
	_ =	sdelay $0x3  }
0x94: {  	_ =	strace s3  }
0x95: {  	s3 =	sld [smem:$0x3FFD];
	_ =	sdelay $0x3  }
0x96: {  	_ =	strace s3  }
0x97: {  	_ =	strace $0x8FFFFFFF  }
0x98: {  	s19 =	sld [smem:$0x3FDB];
	_ =	sdelay $0x1  }
0x99: {  	s4 =	simm.s32 $_scs_section_size  }
0x9a: {  	s5 =	simm.s32 $_size__tile_overlayer_lowered;
	s6 =	simm.s32 $_tile_overlayer_lowered  }
0x9b: {  	s22 =	simm.s32 $0x1BFF;
	s21 =	sshll.u32 s6, $0x1;
	s3 =	sadd.s32 s4, s19  }
0x9c: {  	s7 =	simm.s32 $0x0;
	s20 =	sshll.u32 s5, $0x1;
	s5 =	sadd.s32 s21, s3  }
0x9d: {  	[timem:s7], [sflag:s22] =	dma.local [hbm:s5], s20  }
0x9e: {  	_ =	swait.ge [sflag:s22], s20  }
0x9f: {  	s4 =	ssub.s32 $0x0, s20;
	[sflag:s22] =	ssyncset.done $0x0  }
0xa0: {  	[sflag:s22] =	ssyncadd.s32 s4;
	_ =	sdelay $0x1  }
0xa1: {  	s23 =	simm.s32 $0x1B8B  }
0xa2: {  	_ =	swait.ge [sflag:s23], $0x1  }
0xa3: {  	[sflag:s23] =	ssyncset.done $0x0  }
0xa4: {  	s25 =	simm.s32 $0x1B8E;
	s24 =	sld [smem:$0x3FFE];
	[sflag:s23] =	ssyncadd.s32 $0xFFFFFFFF  }
0xa5: {  	s26 =	simm.s32 $execute0_lowered;
	[smem:$0x3FD2] =	sst s25  }
0xa6: {  	s5 =	sshll.u32 s26, $0x1;
	_ =	strace $0x80000049;
	[dreg:$0x1] =	wrdreg $0xFFFFFFFF  }
0xa7: {  	s28 =	simm.s32 $_size_execute0_lowered;
	s3 =	sadd.s32 s3, s5;
	[dreg:$0x0] =	wrdreg $0x0  }
0xa8: {  	s5 =	sshll.u32 s28, $0x1;
	[dreg:$0x2] =	wrdreg s3  }
0xa9: {  	[dreg:$0x3] =	wrdreg s5  }
0xaa: {  	[dreg:$0x4] =	wrdreg $0xC0  }
0xab: {  	_ =	task [dreg:s7], $0x5FFFF  }
0xac: {  	[dreg:$0x1] =	wrdreg $0xFFFFFFFF  }
0xad: {  	[dreg:$0x0] =	wrdreg $0x60  }
0xae: {  	[dreg:$0x2] =	wrdreg s24  }
0xaf: {  	[dreg:$0x3] =	wrdreg s2  }
0xb0: {  	[dreg:$0x4] =	wrdreg $0x90000  }
0xb1: {  	[dreg:$0x5] =	wrdreg $0x9  }
0xb2: {  	_ =	task.clear_ibuf [dreg:s7], $0x6FFFF;
	_ =	strace $0x90000049  }
0xb3: {  	s29 =	simm.s32 $0x9;
	_ =	strace $0x8000004B  }
0xb4: {  	_ =	swait.ge [sflag:s29], $0x1  }
0xb5: {  	[sflag:s29] =	ssyncadd.s32 $0xFFFFFFFF  }
0xb6: {  	_ =	strace $0x9000004B  }
0xb7: {  	_ =	sfence  }
0xb8: {  	s30 =	sld [smem:$0x0];
	_ =	sdelay $0x2  }
0xb9: {  	s31 =	sshll.u32 s1, $0xD;
	s1 =	sshrl.u32 s1, $0x2  }
0xba: {  	s3 =	sand.u32 $0x4000, s31;
	s1 =	sadd.s32 s1, s30  }
0xbb: {  	s0 =	sor.u32 s3, s0;
	s1 =	sshll.u32 s1, $0x11  }
0xbc: {  	s0 =	sor.u32 s1, s0  }
0xbd: {  	s0 =	sadd.s32 $0x8F2B, s0  }
0xbe: {  	[sflag:s0] =	ssyncadd.remote.s32 $0x1  }
0xbf: {  	_ =	sfence.sel $0xFFFF  }
0xc0: {  	[dreg:$0x0] =	wrdreg $0xFFFFFFFF;
	(pc) =	sbr.abs _section_cstart, $3  }
0xc1: {  	[dreg:$0x1] =	wrdreg $0xFFFFFFFF  }
0xc2: {  	_ =	task.clear_ibuf [dreg:s7], $0x2FFFF;
	_ =	strace $0x9FFFFFFF  }
0xc3: {  	(tm) =	ssettm $0x7FFFFFFF  }
tec
execute0_lowered:
.L_overlay_start_1:
0x0: {  	(tag) =	ssettag $0x1  }
0x1: {  	s6 =	rddreg [dreg:$0x0]  }
0x2: {  	s0 =	srdreg.scid;
	s11 =	rddreg [dreg:$0x1]  }
0x3: {  	s2 =	rddreg [dreg:$0x2];
	s5 =	sand.u32 $0x1, s0  }
0x4: {  	s0 =	stileid.u32;
	s4 =	smul.u32 $0x28000, s5  }
0x5: {  	s1 =	rddreg [dreg:$0x3];
	s3 =	simm.s32 $0x0;
	s7 =	smul.u32 $0x2800, s0  }
0x6: {  	s15 =	simm.s32 $0x2;
	s16 =	simm.s32 $0x2800;
	s8 =	smul.u32 $0x140000, s5  }
0x7: {  	s17 =	simm.s32 $0x80;
	s18 =	simm.s32 $0x1;
	s28 =	smul.u32 $0x14000, s0  }
0x8: {  	[smem:$0x7FF] =	sst s3;
	s9 =	smul.u32 $0x50000, s0;
	s29 =	ssub.s32 $0x2, s5  }
0x9: {  	_ =	strace $0x8000004A;
	s19 =	sshll.u32 s0, $0x6;
	s31 =	sshrl.u32 s29, $0x1  }
0xa: {  	s19 =	sor.u32 $0x1C02, s19;
	s4 =	sadd.s32 s7, s4;
	s7 =	sadd.s32 s28, s8  }
0xb: {  	s30 =	sshrl.u32 s9, $0x2;
	s14 =	ssub.s32 s29, s31;
	s12 =	sshrl.u32 s4, $0x3  }
0xc: {  	s4 =	sadd.s32 $0x1E00, s6;
	s7 =	sshrl.u32 s7, $0x3;
	s5 =	sadd.s32 s30, s2  }
0xd: {  	s10 =	sadd.s32 s12, s6;
	s13 =	sadd.s32 s7, s6;
	s6 =	sadd.s32 $0x4000, s5  }
0xe: {  	s7 =	sadd.s32 $0x8000, s5;
	s8 =	sadd.s32 $0xC000, s5;
	s9 =	sadd.s32 $0x10000, s5  }
0xf: {  	s11 =	sadd.s32 s11, s12;
	s20 =	sshrl.u32 s5, $0x3;
	s10 =	sadd.s32 $0x51E00, s10  }
0x10: {  	v0 =	vimm.f32 $0.0e+00;
	s12 =	sadd.s32 $0x5BE00, s13;
	s13 =	smax.u32 s14, $0x1;
	s14 =	simm.s32 $0x5000  }
.LBB2_1:
0x11: {  	s21 =	simm.s32 $0x0;
	s22 =	simm.s32 $0x200  }
.LBB2_2:
0x12: {  	p0 =	sne.s32 s22, $0xFE00;
	[tilespmem:s21+$0x5070] =	vst v0  }
0x13: {  	[tilespmem:s21+$0x5000] =	vst v0  }
0x14: {  	[tilespmem:s21+$0x5010] =	vst v0  }
.Ltmp0:
0x15: {  	[tilespmem:s21+$0x5020] =	vst v0;
	(pc) =	sbr.rel @p0 .LBB2_2-.Ltmp0, $4  }
0x16: {  	[tilespmem:s21+$0x5030] =	vst v0  }
0x17: {  	[tilespmem:s21+$0x5040] =	vst v0  }
0x18: {  	[tilespmem:s21+$0x5050] =	vst v0  }
0x19: {  	[tilespmem:s21+$0x5060] =	vst v0;
	s21 =	sshra.s32 s22, $0x2;
	s22 =	sadd.s32 $0x200, s22  }
0x1a: {  	[tilespmem:s21+$0x5070] =	vst v0  }
0x1b: {  	[tilespmem:s21+$0x5000] =	vst v0  }
0x1c: {  	[tilespmem:s21+$0x5010] =	vst v0  }
0x1d: {  	[tilespmem:s21+$0x5020] =	vst v0  }
0x1e: {  	[tilespmem:s21+$0x5030] =	vst v0  }
0x1f: {  	[tilespmem:s21+$0x5040] =	vst v0  }
0x20: {  	[tilespmem:s21+$0x5050] =	vst v0  }
0x21: {  	[tilespmem:s21+$0x5060] =	vst v0  }
0x22: {  	[spmem:s5] =	stream.linear.scatter [tilespmem:s14], [sflag:$0x2], $0x4000, $0x38;
	[tilespmem:$0x1D000] =	vst v63  }
0x23: {  	_ =	swait.ge [sflag:s15], $0x4000  }
0x24: {  	[sflag:s15] =	ssyncset.done $0x0  }
0x25: {  	[sflag:s15] =	ssyncadd.s32 $0xFFFFC000  }
0x26: {  	[spmem:s6] =	stream.linear.scatter [tilespmem:s14], [sflag:$0x2], $0x4000, $0x38;
	[tilespmem:$0x1D000] =	vst v63  }
0x27: {  	_ =	swait.ge [sflag:s15], $0x4000  }
0x28: {  	[sflag:s15] =	ssyncset.done $0x0  }
0x29: {  	[sflag:s15] =	ssyncadd.s32 $0xFFFFC000  }
0x2a: {  	[spmem:s7] =	stream.linear.scatter [tilespmem:s14], [sflag:$0x2], $0x4000, $0x38;
	[tilespmem:$0x1D000] =	vst v63  }
0x2b: {  	_ =	swait.ge [sflag:s15], $0x4000  }
0x2c: {  	[sflag:s15] =	ssyncset.done $0x0  }
0x2d: {  	[sflag:s15] =	ssyncadd.s32 $0xFFFFC000  }
0x2e: {  	[spmem:s8] =	stream.linear.scatter [tilespmem:s14], [sflag:$0x2], $0x4000, $0x38;
	[tilespmem:$0x1D000] =	vst v63  }
0x2f: {  	_ =	swait.ge [sflag:s15], $0x4000  }
0x30: {  	[sflag:s15] =	ssyncset.done $0x0  }
0x31: {  	[sflag:s15] =	ssyncadd.s32 $0xFFFFC000  }
0x32: {  	[spmem:s9] =	stream.linear.scatter [tilespmem:s14], [sflag:$0x2], $0x4000, $0x38;
	[tilespmem:$0x1D000] =	vst v63  }
0x33: {  	_ =	swait.ge [sflag:s15], $0x4000  }
0x34: {  	[sflag:s15] =	ssyncset.done $0x0  }
0x35: {  	s29 =	simm.s32 $0x0;
	[sflag:s15] =	ssyncadd.s32 $0xFFFFC000  }
0x36: {  	[tilespmem:s29], [sflag:$0x2] =	stream.linear.gather [hbm4b:s10+s29], $0x2780, $0x38;
	[tilespmem:$0x1D000] =	vst v63  }
0x37: {  	_ =	swait.ge [sflag:s15], $0x2780  }
0x38: {  	[sflag:s15] =	ssyncset.done $0x0  }
0x39: {  	[sflag:s15] =	ssyncadd.s32 $0xFFFFD880  }
0x3a: {  	[tilespmem:s16], [sflag:$0x2] =	stream.linear.gather [hbm4b:s11+s29], $0x2780, $0x38;
	[tilespmem:$0x1D000] =	vst v63  }
0x3b: {  	_ =	swait.ge [sflag:s15], $0x2780  }
0x3c: {  	[sflag:s15] =	ssyncset.done $0x0  }
0x3d: {  	[sflag:s15] =	ssyncadd.s32 $0xFFFFD880  }
0x3e: {  	s30 =	simm.s32 $0x0;
	[bflag:$0x0] =	sbarrier.arrive $0xFFFF  }
0x3f: {  	[tilespmem:s14], [sflag:$0x1] =	stream.indirect.gather [hbm4b:s4+s17], $0x80, s30, s17, $0xb8;
	[tilespmem:$0x1D000] =	vst v63  }
0x40: {  	_ =	swait.ge [sflag:s18], $0x4000  }
0x41: {  	[sflag:s18] =	ssyncset.done $0x0  }
0x42: {  	s31 =	simm.s32 $0x2800;
	[sflag:s18] =	ssyncadd.s32 $0xFFFFC000  }
0x43: {  	[spmem:s2] =	stream.indirect.scatter.add.f32 [tilespmem:s14], [sflag:$0x2], $0x80, s31, s17, $0xb8;
	[tilespmem:$0x1D000] =	vst v63  }
0x44: {  	_ =	swait.ge [sflag:s15], $0x4000  }
0x45: {  	s21 =	simm.s32 $0x200;
	s22 =	simm.s32 $0x400;
	[sflag:s15] =	ssyncset.done $0x0  }
.LBB2_4:
0x46: {  	s23 =	sshra.s32 s21, $0x2  }
0x47: {  	[sflag:s15] =	ssyncadd.s32 $0xFFFFC000;
	s21 =	smov.u32 s22;
	s24 =	sadd.s32 $0x200, s22  }
0x48: {  	[tilespmem:s14], [sflag:$0x1] =	stream.indirect.gather [hbm4b:s4+s17], $0x80, s23, s17, $0xb8;
	[tilespmem:$0x1D000] =	vst v63  }
0x49: {  	p0 =	sne.s32 s22, $0x9C00;
	_ =	swait.ge [sflag:s18], $0x4000  }
.Ltmp1:
0x4a: {  	[sflag:s18] =	ssyncset.done $0x0;
	(pc) =	sbr.rel @p0 .LBB2_4-.Ltmp1, $4  }
0x4b: {  	s22 =	sadd.s32 $0x2800, s23;
	[sflag:s18] =	ssyncadd.s32 $0xFFFFC000  }
0x4c: {  	[spmem:s2] =	stream.indirect.scatter.add.f32 [tilespmem:s14], [sflag:$0x2], $0x80, s22, s17, $0xb8;
	[tilespmem:$0x1D000] =	vst v63  }
0x4d: {  	_ =	swait.ge [sflag:s15], $0x4000  }
0x4e: {  	s22 =	smov.u32 s24;
	[sflag:s15] =	ssyncset.done $0x0  }
0x4f: {  	s21 =	sshra.s32 s21, $0x2;
	[sflag:s15] =	ssyncadd.s32 $0xFFFFC000  }
0x50: {  	[tilespmem:s14], [sflag:$0x1] =	stream.indirect.gather [hbm4b:s4+s17], $0x80, s21, s17, $0xb8;
	[tilespmem:$0x1D000] =	vst v63  }
0x51: {  	_ =	swait.ge [sflag:s18], $0x4000  }
0x52: {  	[sflag:s18] =	ssyncset.done $0x0  }
0x53: {  	s21 =	sadd.s32 $0x2800, s21;
	[sflag:s18] =	ssyncadd.s32 $0xFFFFC000  }
0x54: {  	[spmem:s2] =	stream.indirect.scatter.add.f32 [tilespmem:s14], [sflag:$0x2], $0x80, s21, s17, $0xb8;
	[tilespmem:$0x1D000] =	vst v63  }
0x55: {  	_ =	swait.ge [sflag:s15], $0x4000  }
0x56: {  	s3 =	sadd.s32 $0x1, s3;
	[sflag:s15] =	ssyncset.done $0x0  }
0x57: {  	p0 =	sne.s32 s3, s13;
	[sflag:s15] =	ssyncadd.s32 $0xFFFFC000  }
.Ltmp2:
0x58: {  	[bflag:$0x0] =	sbarrier.arrive $0xFFFF;
	(pc) =	sbr.rel @p0 .LBB2_1-.Ltmp2, $4  }
0x59: {  	[hbm:s12], [sflag:s19] =	dma.local [spmem:s20], $0x2800  }
0x5a: {  	_ =	swait.ge [sflag:s15], $0x2800  }
0x5b: {  	[sflag:s15] =	ssyncset.done $0x0  }
0x5c: {  	[sflag:s15] =	ssyncadd.s32 $0xFFFFD800  }
0x5d: {  	_ =	sfence.sel $0x180000  }
0x5e: {  	[bflag:$0x0] =	sbarrier.arrive $0xFFFF  }
0x5f: {  	p0 =	sne.s32 s0, $0x0;
	_ =	strace $0x9000004A  }
0x60: {  	s0 =	sadd.s32 @!p0 $0x100000, s1;
	[bflag:$0x2] =	sbarrier.arrive $0xFFFF  }
0x61: {  	[sflag:s0] =	ssyncadd.tile.s32 @!p0 $0x1;
	_ =	shalt  }
.Lfunc_end2:
_tile_overlayer_lowered:
.L_overlay_start_2:
0x62: {  	(tag) =	ssettag $0x2  }
0x63: {  	s0 =	rddreg [dreg:$0x0];
	s2 =	stileid.u32  }
0x64: {  	s1 =	rddreg [dreg:$0x1];
	p0 =	sne.s32 s2, $0x0  }
0x65: {  	s3 =	rddreg [dreg:$0x2];
	[bflag:$0x3] =	sbarrier.arrive $0xFFFF;
	s2 =	simm.s32 @!p0 $0x1C02  }
0x66: {  	[timem:s3], [sflag:s2] =	dma.local @!p0 [hbm:s0], s1  }
0x67: {  	s0 =	simm.s32 @!p0 $0x2  }
0x68: {  	_ =	swait.ge @!p0 [sflag:s0], s1  }
0x69: {  	s1 =	ssub.s32 @!p0 $0x0, s1;
	[sflag:s0] =	ssyncset.done @!p0 $0x0  }
0x6a: {  	[sflag:s0] =	ssyncadd.s32 @!p0 s1  }
0x6b: {  	[bflag:$0x3] =	sbarrier.arrive $0xFFFF  }
0x6c: {  	_ =	shalt  }

// kernel: kernel.14.cloned.1.call-start
scs
__scs_entry_jumppad:
0x0: {  	(pc) =	sbr.rel $0x88, $3  }
0x1: {  	(tag) =	ssettag $0x0;
	lr =	simm.s32 $0x1  }
0x2: {  	[smem:$0x3F9B] =	sst lr;
	_ =	strace $0xD0000000  }
0x3: {  	_ = 	snop  }
0x4: {  	_ = 	snop  }
0x5: {  	_ = 	snop  }
0x6: {  	_ = 	snop  }
0x7: {  	_ = 	snop  }
__scs_overlays_trampoline_lowered:
0x8: {  	[smem:$0x3FAA] =	sst s0  }
0x9: {  	[smem:$0x3FAB] =	sst s1  }
0xa: {  	[smem:$0x3FAC] =	sst s2  }
0xb: {  	[smem:$0x3FAD] =	sst s3  }
0xc: {  	[smem:$0x3FAE] =	sst s4  }
0xd: {  	[smem:$0x3FAF] =	sst s5  }
0xe: {  	[smem:$0x3FB0] =	sst s6  }
0xf: {  	[smem:$0x3FB1] =	sst s7  }
0x10: {  	[smem:$0x3FB2] =	sst s8  }
0x11: {  	[smem:$0x3FB3] =	sst s9;
	s0 =	simm.s32 @!p0 $0x0  }
0x12: {  	s1 =	sld [smem:$0x3F99];
	s0 =	simm.s32 @p0 $0x1  }
0x13: {  	[smem:$0x3FB4] =	sst s0;
	s0 =	simm.s32 @!p1 $0x0  }
0x14: {  	s2 =	sld [smem:$0x3F98];
	s0 =	simm.s32 @p1 $0x1  }
0x15: {  	[smem:$0x3FB5] =	sst s0;
	s0 =	simm.s32 @!p2 $0x0  }
0x16: {  	s3 =	sld [smem:$0x3FDB];
	s0 =	simm.s32 @p2 $0x1  }
0x17: {  	s4 =	simm.s32 $0x1BF5;
	[smem:$0x3FB7] =	sst s0  }
0x18: {  	s0 =	sld [smem:$0x3F9A];
	_ =	swait.ge [sflag:s4], $0x0  }
0x19: {  	s7 =	sld [smem:$0x3F9B]  }
0x1a: {  	s8 =	sadd.s32 $0xFFFFE003, lr  }
0x1b: {  	s9 =	sadd.s32 $0xFFFFFEF7, lr;
	s5 =	simm.s32 $0xFFFFFFFF;
	p2 =	slt.u32 s8, $0xFFFFF086  }
0x1c: {  	p1 =	slt.u32 s9, $0xF7A;
	s5 =	simm.s32 @!p2 $0x0  }
0x1d: {  	s5 =	simm.s32 @p1 $0x1;
	p0 =	seq.s32 s7, s2  }
0x1e: {  	s7 =	smul.u32 @!p0 $0xF7A, s2;
	p2 =	seq.s32 @!p0 s5, $0x0  }
0x1f: {  	s9 =	smul.u32 $0xF7A, s1;
	s8 =	simm.s32 @!p0 $0x1BF5;
	p2 =	por !p2, p0  }
0x20: {  	[sflag:s8] =	ssyncset.s32 @!p0 $0xFFFFF086;
	s6 =	sadd.s32 @!p0 s3, s7;
	s7 =	simm.s32 @!p0 $0x108  }
0x21: {  	s3 =	sadd.s32 s3, s9;
	s6 =	sadd.s32 @!p0 $0x88, s6;
	s7 =	simm.s32 @p2 $0x1082  }
0x22: {  	[simem:s7], [sflag:s8] =	dma.local @!p0 [hbm:s6], $0xF7A  }
0x23: {  	s9 =	sor.u32 $0xD0000000, s2;
	s6 =	simm.s32 $0x108;
	_ =	swait.ge @!p0 [sflag:s8], $0x0  }
0x24: {  	s3 =	sadd.s32 $0x88, s3;
	s6 =	simm.s32 @!p1 $0x1082;
	[sflag:s4] =	ssyncset.s32 $0xFFFFF086  }
0x25: {  	[simem:s6], [sflag:s4] =	dma.local [hbm:s3], $0xF7A  }
0x26: {  	[smem:$0x3F9B] =	sst s1;
	(tag) =	ssettag s2;
	_ =	strace s9  }
0x27: {  	s1 =	sld [smem:$0x3FAB]  }
0x28: {  	s2 =	sld [smem:$0x3FAC]  }
0x29: {  	s4 =	sld [smem:$0x3FAE]  }
0x2a: {  	p0 =	seq.s32 s5, $0x0;
	s5 =	sld [smem:$0x3FAF]  }
0x2b: {  	s6 =	sld [smem:$0x3FB0]  }
0x2c: {  	s7 =	sld [smem:$0x3FB1]  }
0x2d: {  	s3 =	simm.s32 $0x108;
	s8 =	sld [smem:$0x3FB2]  }
0x2e: {  	s3 =	simm.s32 @!p0 $0x1082;
	s9 =	sld [smem:$0x3FB3]  }
0x2f: {  	lr =	sadd.s32 s0, s3;
	s0 =	sld [smem:$0x3FAA]  }
0x30: {  	s3 =	sld [smem:$0x3FAD]  }
0x31: {  	[smem:$0x3FB6] =	sst s10  }
0x32: {  	s10 =	sld [smem:$0x3FB4];
	_ =	sdelay $0x3  }
0x33: {  	p0 =	seq.s32 s10, $0x1;
	s10 =	sld [smem:$0x3FB6];
	_ =	sdelay $0x3  }
0x34: {  	[smem:$0x3FB6] =	sst s10  }
0x35: {  	s10 =	sld [smem:$0x3FB5];
	_ =	sdelay $0x3  }
0x36: {  	p1 =	seq.s32 s10, $0x1;
	s10 =	sld [smem:$0x3FB6];
	_ =	sdelay $0x3  }
0x37: {  	[smem:$0x3FB6] =	sst s10  }
0x38: {  	s10 =	sld [smem:$0x3FB7]  }
0x39: {  	_ = 	snop;
	(pc) =	sbr.ind lr, $3  }
0x3a: {  	_ = 	snop  }
0x3b: {  	_ = 	snop  }
0x3c: {  	p2 =	seq.s32 s10, $0x1;
	s10 =	sld [smem:$0x3FB6]  }
0x3d: {  	_ =	shalt  }
0x3e: {  	_ =	shalt  }
0x3f: {  	_ =	shalt  }
0x40: {  	_ =	shalt  }
0x41: {  	_ =	shalt  }
0x42: {  	_ =	shalt  }
0x43: {  	_ =	shalt  }
0x44: {  	_ =	shalt  }
0x45: {  	_ =	shalt  }
0x46: {  	_ =	shalt  }
0x47: {  	_ =	shalt  }
0x48: {  	_ =	shalt  }
0x49: {  	_ =	shalt  }
0x4a: {  	_ =	shalt  }
0x4b: {  	_ =	shalt  }
0x4c: {  	_ =	shalt  }
0x4d: {  	_ =	shalt  }
0x4e: {  	_ =	shalt  }
0x4f: {  	_ =	shalt  }
0x50: {  	_ =	shalt  }
0x51: {  	_ =	shalt  }
0x52: {  	_ =	shalt  }
0x53: {  	_ =	shalt  }
0x54: {  	_ =	shalt  }
0x55: {  	_ =	shalt  }
0x56: {  	_ =	shalt  }
0x57: {  	_ =	shalt  }
0x58: {  	_ =	shalt  }
0x59: {  	_ =	shalt  }
0x5a: {  	_ =	shalt  }
0x5b: {  	_ =	shalt  }
0x5c: {  	_ =	shalt  }
0x5d: {  	_ =	shalt  }
0x5e: {  	_ =	shalt  }
0x5f: {  	_ =	shalt  }
0x60: {  	_ =	shalt  }
0x61: {  	_ =	shalt  }
0x62: {  	_ =	shalt  }
0x63: {  	_ =	shalt  }
0x64: {  	_ =	shalt  }
0x65: {  	_ =	shalt  }
0x66: {  	_ =	shalt  }
0x67: {  	_ =	shalt  }
0x68: {  	_ =	shalt  }
0x69: {  	_ =	shalt  }
0x6a: {  	_ =	shalt  }
0x6b: {  	_ =	shalt  }
0x6c: {  	_ =	shalt  }
0x6d: {  	_ =	shalt  }
0x6e: {  	_ =	shalt  }
0x6f: {  	_ =	shalt  }
0x70: {  	_ =	shalt  }
0x71: {  	_ =	shalt  }
0x72: {  	_ =	shalt  }
0x73: {  	_ =	shalt  }
0x74: {  	_ =	shalt  }
0x75: {  	_ =	shalt  }
0x76: {  	_ =	shalt  }
0x77: {  	_ =	shalt  }
0x78: {  	_ =	shalt  }
0x79: {  	_ =	shalt  }
0x7a: {  	_ =	shalt  }
0x7b: {  	_ =	shalt  }
0x7c: {  	_ =	shalt  }
0x7d: {  	_ =	shalt  }
0x7e: {  	_ =	shalt  }
0x7f: {  	_ =	shalt  }
0x80: {  	_ =	shalt  }
0x81: {  	_ =	shalt  }
0x82: {  	_ =	shalt  }
0x83: {  	_ =	shalt  }
0x84: {  	_ =	shalt  }
0x85: {  	_ =	shalt  }
0x86: {  	_ =	shalt  }
0x87: {  	_ =	shalt  }
.Lfunc_end0:
.L_simem_size_0:
called_computation.2_lowered:
.L_overlay_start_0:
0x88: {  	s2 =	sld [smem:$0x3FD9]  }
0x89: {  	s3 =	sld [smem:$0x3FFE];
	_ =	sdelay $0x1  }
0x8a: {  	s1 =	srdreg.scid  }
0x8b: {  	s0 =	sand.u32 $0x1, s1  }
0x8c: {  	s17 =	sshll.u32 s0, $0xA;
	s2 =	sadd.s32 s3, s2  }
0x8d: {  	s2 =	sadd.s32 s2, s17  }
0x8e: {  	[smem:$0x3FC2] =	sst s2  }
0x8f: {  	_ = 	snop  }
0x90: {  	s2 =	sld [smem:$0x3FD0];
	(tm) =	ssettm $0x1  }
0x91: {  	s18 =	sld [smem:$0x3FFB];
	_ =	sdelay $0x3  }
0x92: {  	_ =	strace s18  }
0x93: {  	s3 =	sld [smem:$0x3FFC];
	_ =	sdelay $0x3  }
0x94: {  	_ =	strace s3  }
0x95: {  	s3 =	sld [smem:$0x3FFD];
	_ =	sdelay $0x3  }
0x96: {  	_ =	strace s3  }
0x97: {  	_ =	strace $0x8FFFFFFF  }
0x98: {  	s19 =	sld [smem:$0x3FDB];
	_ =	sdelay $0x1  }
0x99: {  	s4 =	simm.s32 $_scs_section_size  }
0x9a: {  	s5 =	simm.s32 $_size__tile_overlayer_lowered;
	s6 =	simm.s32 $_tile_overlayer_lowered  }
0x9b: {  	s22 =	simm.s32 $0x1BFF;
	s21 =	sshll.u32 s6, $0x1;
	s3 =	sadd.s32 s4, s19  }
0x9c: {  	s7 =	simm.s32 $0x0;
	s20 =	sshll.u32 s5, $0x1;
	s5 =	sadd.s32 s21, s3  }
0x9d: {  	[timem:s7], [sflag:s22] =	dma.local [hbm:s5], s20  }
0x9e: {  	_ =	swait.ge [sflag:s22], s20  }
0x9f: {  	s4 =	ssub.s32 $0x0, s20;
	[sflag:s22] =	ssyncset.done $0x0  }
0xa0: {  	[sflag:s22] =	ssyncadd.s32 s4;
	_ =	sdelay $0x1  }
0xa1: {  	s23 =	simm.s32 $0x1B8B  }
0xa2: {  	_ =	swait.ge [sflag:s23], $0x1  }
0xa3: {  	[sflag:s23] =	ssyncset.done $0x0  }
0xa4: {  	s25 =	simm.s32 $0x1B8E;
	s24 =	sld [smem:$0x3FFE];
	[sflag:s23] =	ssyncadd.s32 $0xFFFFFFFF  }
0xa5: {  	s26 =	simm.s32 $execute0_lowered;
	[smem:$0x3FD2] =	sst s25  }
0xa6: {  	s5 =	sshll.u32 s26, $0x1;
	_ =	strace $0x8000004C;
	[dreg:$0x1] =	wrdreg $0xFFFFFFFF  }
0xa7: {  	s28 =	simm.s32 $_size_execute0_lowered;
	s3 =	sadd.s32 s3, s5;
	[dreg:$0x0] =	wrdreg $0x0  }
0xa8: {  	s5 =	sshll.u32 s28, $0x1;
	[dreg:$0x2] =	wrdreg s3  }
0xa9: {  	[dreg:$0x3] =	wrdreg s5  }
0xaa: {  	[dreg:$0x4] =	wrdreg $0xC0  }
0xab: {  	_ =	task [dreg:s7], $0x5FFFF  }
0xac: {  	[dreg:$0x1] =	wrdreg $0xFFFFFFFF  }
0xad: {  	[dreg:$0x0] =	wrdreg $0x60  }
0xae: {  	[dreg:$0x2] =	wrdreg s24  }
0xaf: {  	[dreg:$0x3] =	wrdreg s2  }
0xb0: {  	[dreg:$0x4] =	wrdreg $0x90000  }
0xb1: {  	[dreg:$0x5] =	wrdreg $0x9  }
0xb2: {  	_ =	task.clear_ibuf [dreg:s7], $0x6FFFF;
	_ =	strace $0x9000004C  }
0xb3: {  	s29 =	simm.s32 $0x9;
	_ =	strace $0x8000004E  }
0xb4: {  	_ =	swait.ge [sflag:s29], $0x1  }
0xb5: {  	[sflag:s29] =	ssyncadd.s32 $0xFFFFFFFF  }
0xb6: {  	_ =	strace $0x9000004E  }
0xb7: {  	_ =	sfence  }
0xb8: {  	s30 =	sld [smem:$0x0];
	_ =	sdelay $0x2  }
0xb9: {  	s31 =	sshll.u32 s1, $0xD;
	s1 =	sshrl.u32 s1, $0x2  }
0xba: {  	s3 =	sand.u32 $0x4000, s31;
	s1 =	sadd.s32 s1, s30  }
0xbb: {  	s0 =	sor.u32 s3, s0;
	s1 =	sshll.u32 s1, $0x11  }
0xbc: {  	s0 =	sor.u32 s1, s0  }
0xbd: {  	s0 =	sadd.s32 $0x8F2B, s0  }
0xbe: {  	[sflag:s0] =	ssyncadd.remote.s32 $0x1  }
0xbf: {  	_ =	sfence.sel $0xFFFF  }
0xc0: {  	[dreg:$0x0] =	wrdreg $0xFFFFFFFF;
	(pc) =	sbr.abs _section_cstart, $3  }
0xc1: {  	[dreg:$0x1] =	wrdreg $0xFFFFFFFF  }
0xc2: {  	_ =	task.clear_ibuf [dreg:s7], $0x2FFFF;
	_ =	strace $0x9FFFFFFF  }
0xc3: {  	(tm) =	ssettm $0x7FFFFFFF  }
tec
execute0_lowered:
.L_overlay_start_1:
0x0: {  	(tag) =	ssettag $0x1  }
0x1: {  	s6 =	rddreg [dreg:$0x0]  }
0x2: {  	s0 =	srdreg.scid;
	s11 =	rddreg [dreg:$0x1]  }
0x3: {  	s2 =	rddreg [dreg:$0x2];
	s5 =	sand.u32 $0x1, s0  }
0x4: {  	s0 =	stileid.u32;
	s4 =	smul.u32 $0x28000, s5  }
0x5: {  	s1 =	rddreg [dreg:$0x3];
	s3 =	simm.s32 $0x0;
	s7 =	smul.u32 $0x2800, s0  }
0x6: {  	s15 =	simm.s32 $0x2;
	s16 =	simm.s32 $0x2800;
	s8 =	smul.u32 $0x140000, s5  }
0x7: {  	s17 =	simm.s32 $0x80;
	s18 =	simm.s32 $0x1;
	s28 =	smul.u32 $0x14000, s0  }
0x8: {  	[smem:$0x7FF] =	sst s3;
	s9 =	smul.u32 $0x50000, s0;
	s29 =	ssub.s32 $0x2, s5  }
0x9: {  	_ =	strace $0x8000004D;
	s19 =	sshll.u32 s0, $0x6;
	s31 =	sshrl.u32 s29, $0x1  }
0xa: {  	s19 =	sor.u32 $0x1C02, s19;
	s4 =	sadd.s32 s7, s4;
	s7 =	sadd.s32 s28, s8  }
0xb: {  	s30 =	sshrl.u32 s9, $0x2;
	s14 =	ssub.s32 s29, s31;
	s12 =	sshrl.u32 s4, $0x3  }
0xc: {  	s4 =	sadd.s32 $0x1E00, s6;
	s7 =	sshrl.u32 s7, $0x3;
	s5 =	sadd.s32 s30, s2  }
0xd: {  	s10 =	sadd.s32 s12, s6;
	s13 =	sadd.s32 s7, s6;
	s6 =	sadd.s32 $0x4000, s5  }
0xe: {  	s7 =	sadd.s32 $0x8000, s5;
	s8 =	sadd.s32 $0xC000, s5;
	s9 =	sadd.s32 $0x10000, s5  }
0xf: {  	s11 =	sadd.s32 s11, s12;
	s20 =	sshrl.u32 s5, $0x3;
	s10 =	sadd.s32 $0x51E00, s10  }
0x10: {  	v0 =	vimm.f32 $0.0e+00;
	s12 =	sadd.s32 $0x5BE00, s13;
	s13 =	smax.u32 s14, $0x1;
	s14 =	simm.s32 $0x5000  }
.LBB2_1:
0x11: {  	s21 =	simm.s32 $0x0;
	s22 =	simm.s32 $0x200  }
.LBB2_2:
0x12: {  	p0 =	sne.s32 s22, $0xFE00;
	[tilespmem:s21+$0x5070] =	vst v0  }
0x13: {  	[tilespmem:s21+$0x5000] =	vst v0  }
0x14: {  	[tilespmem:s21+$0x5010] =	vst v0  }
.Ltmp0:
0x15: {  	[tilespmem:s21+$0x5020] =	vst v0;
	(pc) =	sbr.rel @p0 .LBB2_2-.Ltmp0, $4  }
0x16: {  	[tilespmem:s21+$0x5030] =	vst v0  }
0x17: {  	[tilespmem:s21+$0x5040] =	vst v0  }
0x18: {  	[tilespmem:s21+$0x5050] =	vst v0  }
0x19: {  	[tilespmem:s21+$0x5060] =	vst v0;
	s21 =	sshra.s32 s22, $0x2;
	s22 =	sadd.s32 $0x200, s22  }
0x1a: {  	[tilespmem:s21+$0x5070] =	vst v0  }
0x1b: {  	[tilespmem:s21+$0x5000] =	vst v0  }
0x1c: {  	[tilespmem:s21+$0x5010] =	vst v0  }
0x1d: {  	[tilespmem:s21+$0x5020] =	vst v0  }
0x1e: {  	[tilespmem:s21+$0x5030] =	vst v0  }
0x1f: {  	[tilespmem:s21+$0x5040] =	vst v0  }
0x20: {  	[tilespmem:s21+$0x5050] =	vst v0  }
0x21: {  	[tilespmem:s21+$0x5060] =	vst v0  }
0x22: {  	[spmem:s5] =	stream.linear.scatter [tilespmem:s14], [sflag:$0x2], $0x4000, $0x38;
	[tilespmem:$0x1D000] =	vst v63  }
0x23: {  	_ =	swait.ge [sflag:s15], $0x4000  }
0x24: {  	[sflag:s15] =	ssyncset.done $0x0  }
0x25: {  	[sflag:s15] =	ssyncadd.s32 $0xFFFFC000  }
0x26: {  	[spmem:s6] =	stream.linear.scatter [tilespmem:s14], [sflag:$0x2], $0x4000, $0x38;
	[tilespmem:$0x1D000] =	vst v63  }
0x27: {  	_ =	swait.ge [sflag:s15], $0x4000  }
0x28: {  	[sflag:s15] =	ssyncset.done $0x0  }
0x29: {  	[sflag:s15] =	ssyncadd.s32 $0xFFFFC000  }
0x2a: {  	[spmem:s7] =	stream.linear.scatter [tilespmem:s14], [sflag:$0x2], $0x4000, $0x38;
	[tilespmem:$0x1D000] =	vst v63  }
0x2b: {  	_ =	swait.ge [sflag:s15], $0x4000  }
0x2c: {  	[sflag:s15] =	ssyncset.done $0x0  }
0x2d: {  	[sflag:s15] =	ssyncadd.s32 $0xFFFFC000  }
0x2e: {  	[spmem:s8] =	stream.linear.scatter [tilespmem:s14], [sflag:$0x2], $0x4000, $0x38;
	[tilespmem:$0x1D000] =	vst v63  }
0x2f: {  	_ =	swait.ge [sflag:s15], $0x4000  }
0x30: {  	[sflag:s15] =	ssyncset.done $0x0  }
0x31: {  	[sflag:s15] =	ssyncadd.s32 $0xFFFFC000  }
0x32: {  	[spmem:s9] =	stream.linear.scatter [tilespmem:s14], [sflag:$0x2], $0x4000, $0x38;
	[tilespmem:$0x1D000] =	vst v63  }
0x33: {  	_ =	swait.ge [sflag:s15], $0x4000  }
0x34: {  	[sflag:s15] =	ssyncset.done $0x0  }
0x35: {  	s29 =	simm.s32 $0x0;
	[sflag:s15] =	ssyncadd.s32 $0xFFFFC000  }
0x36: {  	[tilespmem:s29], [sflag:$0x2] =	stream.linear.gather [hbm4b:s10+s29], $0x2780, $0x38;
	[tilespmem:$0x1D000] =	vst v63  }
0x37: {  	_ =	swait.ge [sflag:s15], $0x2780  }
0x38: {  	[sflag:s15] =	ssyncset.done $0x0  }
0x39: {  	[sflag:s15] =	ssyncadd.s32 $0xFFFFD880  }
0x3a: {  	[tilespmem:s16], [sflag:$0x2] =	stream.linear.gather [hbm4b:s11+s29], $0x2780, $0x38;
	[tilespmem:$0x1D000] =	vst v63  }
0x3b: {  	_ =	swait.ge [sflag:s15], $0x2780  }
0x3c: {  	[sflag:s15] =	ssyncset.done $0x0  }
0x3d: {  	[sflag:s15] =	ssyncadd.s32 $0xFFFFD880  }
0x3e: {  	s30 =	simm.s32 $0x0;
	[bflag:$0x0] =	sbarrier.arrive $0xFFFF  }
0x3f: {  	[tilespmem:s14], [sflag:$0x1] =	stream.indirect.gather [hbm4b:s4+s17], $0x80, s30, s17, $0xb8;
	[tilespmem:$0x1D000] =	vst v63  }
0x40: {  	_ =	swait.ge [sflag:s18], $0x4000  }
0x41: {  	[sflag:s18] =	ssyncset.done $0x0  }
0x42: {  	s31 =	simm.s32 $0x2800;
	[sflag:s18] =	ssyncadd.s32 $0xFFFFC000  }
0x43: {  	[spmem:s2] =	stream.indirect.scatter.add.f32 [tilespmem:s14], [sflag:$0x2], $0x80, s31, s17, $0xb8;
	[tilespmem:$0x1D000] =	vst v63  }
0x44: {  	_ =	swait.ge [sflag:s15], $0x4000  }
0x45: {  	s21 =	simm.s32 $0x200;
	s22 =	simm.s32 $0x400;
	[sflag:s15] =	ssyncset.done $0x0  }
.LBB2_4:
0x46: {  	s23 =	sshra.s32 s21, $0x2  }
0x47: {  	[sflag:s15] =	ssyncadd.s32 $0xFFFFC000;
	s21 =	smov.u32 s22;
	s24 =	sadd.s32 $0x200, s22  }
0x48: {  	[tilespmem:s14], [sflag:$0x1] =	stream.indirect.gather [hbm4b:s4+s17], $0x80, s23, s17, $0xb8;
	[tilespmem:$0x1D000] =	vst v63  }
0x49: {  	p0 =	sne.s32 s22, $0x9C00;
	_ =	swait.ge [sflag:s18], $0x4000  }
.Ltmp1:
0x4a: {  	[sflag:s18] =	ssyncset.done $0x0;
	(pc) =	sbr.rel @p0 .LBB2_4-.Ltmp1, $4  }
0x4b: {  	s22 =	sadd.s32 $0x2800, s23;
	[sflag:s18] =	ssyncadd.s32 $0xFFFFC000  }
0x4c: {  	[spmem:s2] =	stream.indirect.scatter.add.f32 [tilespmem:s14], [sflag:$0x2], $0x80, s22, s17, $0xb8;
	[tilespmem:$0x1D000] =	vst v63  }
0x4d: {  	_ =	swait.ge [sflag:s15], $0x4000  }
0x4e: {  	s22 =	smov.u32 s24;
	[sflag:s15] =	ssyncset.done $0x0  }
0x4f: {  	s21 =	sshra.s32 s21, $0x2;
	[sflag:s15] =	ssyncadd.s32 $0xFFFFC000  }
0x50: {  	[tilespmem:s14], [sflag:$0x1] =	stream.indirect.gather [hbm4b:s4+s17], $0x80, s21, s17, $0xb8;
	[tilespmem:$0x1D000] =	vst v63  }
0x51: {  	_ =	swait.ge [sflag:s18], $0x4000  }
0x52: {  	[sflag:s18] =	ssyncset.done $0x0  }
0x53: {  	s21 =	sadd.s32 $0x2800, s21;
	[sflag:s18] =	ssyncadd.s32 $0xFFFFC000  }
0x54: {  	[spmem:s2] =	stream.indirect.scatter.add.f32 [tilespmem:s14], [sflag:$0x2], $0x80, s21, s17, $0xb8;
	[tilespmem:$0x1D000] =	vst v63  }
0x55: {  	_ =	swait.ge [sflag:s15], $0x4000  }
0x56: {  	s3 =	sadd.s32 $0x1, s3;
	[sflag:s15] =	ssyncset.done $0x0  }
0x57: {  	p0 =	sne.s32 s3, s13;
	[sflag:s15] =	ssyncadd.s32 $0xFFFFC000  }
.Ltmp2:
0x58: {  	[bflag:$0x0] =	sbarrier.arrive $0xFFFF;
	(pc) =	sbr.rel @p0 .LBB2_1-.Ltmp2, $4  }
0x59: {  	[hbm:s12], [sflag:s19] =	dma.local [spmem:s20], $0x2800  }
0x5a: {  	_ =	swait.ge [sflag:s15], $0x2800  }
0x5b: {  	[sflag:s15] =	ssyncset.done $0x0  }
0x5c: {  	[sflag:s15] =	ssyncadd.s32 $0xFFFFD800  }
0x5d: {  	_ =	sfence.sel $0x180000  }
0x5e: {  	[bflag:$0x0] =	sbarrier.arrive $0xFFFF  }
0x5f: {  	p0 =	sne.s32 s0, $0x0;
	_ =	strace $0x9000004D  }
0x60: {  	s0 =	sadd.s32 @!p0 $0x100000, s1;
	[bflag:$0x2] =	sbarrier.arrive $0xFFFF  }
0x61: {  	[sflag:s0] =	ssyncadd.tile.s32 @!p0 $0x1;
	_ =	shalt  }
.Lfunc_end2:
_tile_overlayer_lowered:
.L_overlay_start_2:
0x62: {  	(tag) =	ssettag $0x2  }
0x63: {  	s0 =	rddreg [dreg:$0x0];
	s2 =	stileid.u32  }
0x64: {  	s1 =	rddreg [dreg:$0x1];
	p0 =	sne.s32 s2, $0x0  }
0x65: {  	s3 =	rddreg [dreg:$0x2];
	[bflag:$0x3] =	sbarrier.arrive $0xFFFF;
	s2 =	simm.s32 @!p0 $0x1C02  }
0x66: {  	[timem:s3], [sflag:s2] =	dma.local @!p0 [hbm:s0], s1  }
0x67: {  	s0 =	simm.s32 @!p0 $0x2  }
0x68: {  	_ =	swait.ge @!p0 [sflag:s0], s1  }
0x69: {  	s1 =	ssub.s32 @!p0 $0x0, s1;
	[sflag:s0] =	ssyncset.done @!p0 $0x0  }
0x6a: {  	[sflag:s0] =	ssyncadd.s32 @!p0 s1  }
0x6b: {  	[bflag:$0x3] =	sbarrier.arrive $0xFFFF  }
0x6c: {  	_ =	shalt  }

// kernel: kernel.8.cloned.1.call-start
scs
__scs_entry_jumppad:
0x0: {  	(pc) =	sbr.rel $0x88, $3  }
0x1: {  	(tag) =	ssettag $0x0;
	lr =	simm.s32 $0x1  }
0x2: {  	[smem:$0x3F9B] =	sst lr;
	_ =	strace $0xD0000000  }
0x3: {  	_ = 	snop  }
0x4: {  	_ = 	snop  }
0x5: {  	_ = 	snop  }
0x6: {  	_ = 	snop  }
0x7: {  	_ = 	snop  }
__scs_overlays_trampoline_lowered:
0x8: {  	[smem:$0x3FAA] =	sst s0  }
0x9: {  	[smem:$0x3FAB] =	sst s1  }
0xa: {  	[smem:$0x3FAC] =	sst s2  }
0xb: {  	[smem:$0x3FAD] =	sst s3  }
0xc: {  	[smem:$0x3FAE] =	sst s4  }
0xd: {  	[smem:$0x3FAF] =	sst s5  }
0xe: {  	[smem:$0x3FB0] =	sst s6  }
0xf: {  	[smem:$0x3FB1] =	sst s7  }
0x10: {  	[smem:$0x3FB2] =	sst s8  }
0x11: {  	[smem:$0x3FB3] =	sst s9;
	s0 =	simm.s32 @!p0 $0x0  }
0x12: {  	s1 =	sld [smem:$0x3F99];
	s0 =	simm.s32 @p0 $0x1  }
0x13: {  	[smem:$0x3FB4] =	sst s0;
	s0 =	simm.s32 @!p1 $0x0  }
0x14: {  	s2 =	sld [smem:$0x3F98];
	s0 =	simm.s32 @p1 $0x1  }
0x15: {  	[smem:$0x3FB5] =	sst s0;
	s0 =	simm.s32 @!p2 $0x0  }
0x16: {  	s3 =	sld [smem:$0x3FDB];
	s0 =	simm.s32 @p2 $0x1  }
0x17: {  	s4 =	simm.s32 $0x1BF5;
	[smem:$0x3FB7] =	sst s0  }
0x18: {  	s0 =	sld [smem:$0x3F9A];
	_ =	swait.ge [sflag:s4], $0x0  }
0x19: {  	s7 =	sld [smem:$0x3F9B]  }
0x1a: {  	s8 =	sadd.s32 $0xFFFFE003, lr  }
0x1b: {  	s9 =	sadd.s32 $0xFFFFFEF7, lr;
	s5 =	simm.s32 $0xFFFFFFFF;
	p2 =	slt.u32 s8, $0xFFFFF086  }
0x1c: {  	p1 =	slt.u32 s9, $0xF7A;
	s5 =	simm.s32 @!p2 $0x0  }
0x1d: {  	s5 =	simm.s32 @p1 $0x1;
	p0 =	seq.s32 s7, s2  }
0x1e: {  	s7 =	smul.u32 @!p0 $0xF7A, s2;
	p2 =	seq.s32 @!p0 s5, $0x0  }
0x1f: {  	s9 =	smul.u32 $0xF7A, s1;
	s8 =	simm.s32 @!p0 $0x1BF5;
	p2 =	por !p2, p0  }
0x20: {  	[sflag:s8] =	ssyncset.s32 @!p0 $0xFFFFF086;
	s6 =	sadd.s32 @!p0 s3, s7;
	s7 =	simm.s32 @!p0 $0x108  }
0x21: {  	s3 =	sadd.s32 s3, s9;
	s6 =	sadd.s32 @!p0 $0x88, s6;
	s7 =	simm.s32 @p2 $0x1082  }
0x22: {  	[simem:s7], [sflag:s8] =	dma.local @!p0 [hbm:s6], $0xF7A  }
0x23: {  	s9 =	sor.u32 $0xD0000000, s2;
	s6 =	simm.s32 $0x108;
	_ =	swait.ge @!p0 [sflag:s8], $0x0  }
0x24: {  	s3 =	sadd.s32 $0x88, s3;
	s6 =	simm.s32 @!p1 $0x1082;
	[sflag:s4] =	ssyncset.s32 $0xFFFFF086  }
0x25: {  	[simem:s6], [sflag:s4] =	dma.local [hbm:s3], $0xF7A  }
0x26: {  	[smem:$0x3F9B] =	sst s1;
	(tag) =	ssettag s2;
	_ =	strace s9  }
0x27: {  	s1 =	sld [smem:$0x3FAB]  }
0x28: {  	s2 =	sld [smem:$0x3FAC]  }
0x29: {  	s4 =	sld [smem:$0x3FAE]  }
0x2a: {  	p0 =	seq.s32 s5, $0x0;
	s5 =	sld [smem:$0x3FAF]  }
0x2b: {  	s6 =	sld [smem:$0x3FB0]  }
0x2c: {  	s7 =	sld [smem:$0x3FB1]  }
0x2d: {  	s3 =	simm.s32 $0x108;
	s8 =	sld [smem:$0x3FB2]  }
0x2e: {  	s3 =	simm.s32 @!p0 $0x1082;
	s9 =	sld [smem:$0x3FB3]  }
0x2f: {  	lr =	sadd.s32 s0, s3;
	s0 =	sld [smem:$0x3FAA]  }
0x30: {  	s3 =	sld [smem:$0x3FAD]  }
0x31: {  	[smem:$0x3FB6] =	sst s10  }
0x32: {  	s10 =	sld [smem:$0x3FB4];
	_ =	sdelay $0x3  }
0x33: {  	p0 =	seq.s32 s10, $0x1;
	s10 =	sld [smem:$0x3FB6];
	_ =	sdelay $0x3  }
0x34: {  	[smem:$0x3FB6] =	sst s10  }
0x35: {  	s10 =	sld [smem:$0x3FB5];
	_ =	sdelay $0x3  }
0x36: {  	p1 =	seq.s32 s10, $0x1;
	s10 =	sld [smem:$0x3FB6];
	_ =	sdelay $0x3  }
0x37: {  	[smem:$0x3FB6] =	sst s10  }
0x38: {  	s10 =	sld [smem:$0x3FB7]  }
0x39: {  	_ = 	snop;
	(pc) =	sbr.ind lr, $3  }
0x3a: {  	_ = 	snop  }
0x3b: {  	_ = 	snop  }
0x3c: {  	p2 =	seq.s32 s10, $0x1;
	s10 =	sld [smem:$0x3FB6]  }
0x3d: {  	_ =	shalt  }
0x3e: {  	_ =	shalt  }
0x3f: {  	_ =	shalt  }
0x40: {  	_ =	shalt  }
0x41: {  	_ =	shalt  }
0x42: {  	_ =	shalt  }
0x43: {  	_ =	shalt  }
0x44: {  	_ =	shalt  }
0x45: {  	_ =	shalt  }
0x46: {  	_ =	shalt  }
0x47: {  	_ =	shalt  }
0x48: {  	_ =	shalt  }
0x49: {  	_ =	shalt  }
0x4a: {  	_ =	shalt  }
0x4b: {  	_ =	shalt  }
0x4c: {  	_ =	shalt  }
0x4d: {  	_ =	shalt  }
0x4e: {  	_ =	shalt  }
0x4f: {  	_ =	shalt  }
0x50: {  	_ =	shalt  }
0x51: {  	_ =	shalt  }
0x52: {  	_ =	shalt  }
0x53: {  	_ =	shalt  }
0x54: {  	_ =	shalt  }
0x55: {  	_ =	shalt  }
0x56: {  	_ =	shalt  }
0x57: {  	_ =	shalt  }
0x58: {  	_ =	shalt  }
0x59: {  	_ =	shalt  }
0x5a: {  	_ =	shalt  }
0x5b: {  	_ =	shalt  }
0x5c: {  	_ =	shalt  }
0x5d: {  	_ =	shalt  }
0x5e: {  	_ =	shalt  }
0x5f: {  	_ =	shalt  }
0x60: {  	_ =	shalt  }
0x61: {  	_ =	shalt  }
0x62: {  	_ =	shalt  }
0x63: {  	_ =	shalt  }
0x64: {  	_ =	shalt  }
0x65: {  	_ =	shalt  }
0x66: {  	_ =	shalt  }
0x67: {  	_ =	shalt  }
0x68: {  	_ =	shalt  }
0x69: {  	_ =	shalt  }
0x6a: {  	_ =	shalt  }
0x6b: {  	_ =	shalt  }
0x6c: {  	_ =	shalt  }
0x6d: {  	_ =	shalt  }
0x6e: {  	_ =	shalt  }
0x6f: {  	_ =	shalt  }
0x70: {  	_ =	shalt  }
0x71: {  	_ =	shalt  }
0x72: {  	_ =	shalt  }
0x73: {  	_ =	shalt  }
0x74: {  	_ =	shalt  }
0x75: {  	_ =	shalt  }
0x76: {  	_ =	shalt  }
0x77: {  	_ =	shalt  }
0x78: {  	_ =	shalt  }
0x79: {  	_ =	shalt  }
0x7a: {  	_ =	shalt  }
0x7b: {  	_ =	shalt  }
0x7c: {  	_ =	shalt  }
0x7d: {  	_ =	shalt  }
0x7e: {  	_ =	shalt  }
0x7f: {  	_ =	shalt  }
0x80: {  	_ =	shalt  }
0x81: {  	_ =	shalt  }
0x82: {  	_ =	shalt  }
0x83: {  	_ =	shalt  }
0x84: {  	_ =	shalt  }
0x85: {  	_ =	shalt  }
0x86: {  	_ =	shalt  }
0x87: {  	_ =	shalt  }
.Lfunc_end0:
.L_simem_size_0:
called_computation_lowered:
.L_overlay_start_0:
0x88: {  	s2 =	sld [smem:$0x3FD9]  }
0x89: {  	s3 =	sld [smem:$0x3FFE];
	_ =	sdelay $0x1  }
0x8a: {  	s1 =	srdreg.scid  }
0x8b: {  	s0 =	sand.u32 $0x1, s1  }
0x8c: {  	s17 =	sshll.u32 s0, $0xA;
	s2 =	sadd.s32 s3, s2  }
0x8d: {  	s2 =	sadd.s32 s2, s17  }
0x8e: {  	[smem:$0x3FC2] =	sst s2  }
0x8f: {  	_ = 	snop  }
0x90: {  	s2 =	sld [smem:$0x3FD0];
	(tm) =	ssettm $0x1  }
0x91: {  	s18 =	sld [smem:$0x3FFB];
	_ =	sdelay $0x3  }
0x92: {  	_ =	strace s18  }
0x93: {  	s3 =	sld [smem:$0x3FFC];
	_ =	sdelay $0x3  }
0x94: {  	_ =	strace s3  }
0x95: {  	s3 =	sld [smem:$0x3FFD];
	_ =	sdelay $0x3  }
0x96: {  	_ =	strace s3  }
0x97: {  	_ =	strace $0x8FFFFFFF  }
0x98: {  	s19 =	sld [smem:$0x3FDB];
	_ =	sdelay $0x1  }
0x99: {  	s4 =	simm.s32 $_scs_section_size  }
0x9a: {  	s5 =	simm.s32 $_size__tile_overlayer_lowered;
	s6 =	simm.s32 $_tile_overlayer_lowered  }
0x9b: {  	s22 =	simm.s32 $0x1BFF;
	s21 =	sshll.u32 s6, $0x1;
	s3 =	sadd.s32 s4, s19  }
0x9c: {  	s7 =	simm.s32 $0x0;
	s20 =	sshll.u32 s5, $0x1;
	s5 =	sadd.s32 s21, s3  }
0x9d: {  	[timem:s7], [sflag:s22] =	dma.local [hbm:s5], s20  }
0x9e: {  	_ =	swait.ge [sflag:s22], s20  }
0x9f: {  	s4 =	ssub.s32 $0x0, s20;
	[sflag:s22] =	ssyncset.done $0x0  }
0xa0: {  	[sflag:s22] =	ssyncadd.s32 s4;
	_ =	sdelay $0x1  }
0xa1: {  	s23 =	simm.s32 $0x1B8B  }
0xa2: {  	_ =	swait.ge [sflag:s23], $0x1  }
0xa3: {  	[sflag:s23] =	ssyncset.done $0x0  }
0xa4: {  	s25 =	simm.s32 $0x1B8E;
	s24 =	sld [smem:$0x3FFE];
	[sflag:s23] =	ssyncadd.s32 $0xFFFFFFFF  }
0xa5: {  	s26 =	simm.s32 $execute0_lowered;
	[smem:$0x3FD2] =	sst s25  }
0xa6: {  	s5 =	sshll.u32 s26, $0x1;
	_ =	strace $0x80000046;
	[dreg:$0x1] =	wrdreg $0xFFFFFFFF  }
0xa7: {  	s28 =	simm.s32 $_size_execute0_lowered;
	s3 =	sadd.s32 s3, s5;
	[dreg:$0x0] =	wrdreg $0x0  }
0xa8: {  	s5 =	sshll.u32 s28, $0x1;
	[dreg:$0x2] =	wrdreg s3  }
0xa9: {  	[dreg:$0x3] =	wrdreg s5  }
0xaa: {  	[dreg:$0x4] =	wrdreg $0xC0  }
0xab: {  	_ =	task [dreg:s7], $0x5FFFF  }
0xac: {  	[dreg:$0x1] =	wrdreg $0xFFFFFFFF  }
0xad: {  	[dreg:$0x0] =	wrdreg $0x60  }
0xae: {  	[dreg:$0x2] =	wrdreg s2  }
0xaf: {  	[dreg:$0x3] =	wrdreg s24  }
0xb0: {  	[dreg:$0x4] =	wrdreg $0x68000  }
0xb1: {  	[dreg:$0x5] =	wrdreg $0x9  }
0xb2: {  	_ =	task.clear_ibuf [dreg:s7], $0x6FFFF;
	_ =	strace $0x90000046  }
0xb3: {  	s29 =	simm.s32 $0x9;
	_ =	strace $0x80000048  }
0xb4: {  	_ =	swait.ge [sflag:s29], $0x1  }
0xb5: {  	[sflag:s29] =	ssyncadd.s32 $0xFFFFFFFF  }
0xb6: {  	_ =	strace $0x90000048  }
0xb7: {  	_ =	sfence  }
0xb8: {  	s30 =	sld [smem:$0x0];
	_ =	sdelay $0x2  }
0xb9: {  	s31 =	sshll.u32 s1, $0xD;
	s1 =	sshrl.u32 s1, $0x2  }
0xba: {  	s3 =	sand.u32 $0x4000, s31;
	s1 =	sadd.s32 s1, s30  }
0xbb: {  	s0 =	sor.u32 s3, s0;
	s1 =	sshll.u32 s1, $0x11  }
0xbc: {  	s0 =	sor.u32 s1, s0  }
0xbd: {  	s0 =	sadd.s32 $0x8F2B, s0  }
0xbe: {  	[sflag:s0] =	ssyncadd.remote.s32 $0x1  }
0xbf: {  	_ =	sfence.sel $0xFFFF  }
0xc0: {  	[dreg:$0x0] =	wrdreg $0xFFFFFFFF;
	(pc) =	sbr.abs _section_cstart, $3  }
0xc1: {  	[dreg:$0x1] =	wrdreg $0xFFFFFFFF  }
0xc2: {  	_ =	task.clear_ibuf [dreg:s7], $0x2FFFF;
	_ =	strace $0x9FFFFFFF  }
0xc3: {  	(tm) =	ssettm $0x7FFFFFFF  }
tec
execute0_lowered:
.L_overlay_start_1:
0x0: {  	(tag) =	ssettag $0x1  }
0x1: {  	s9 =	rddreg [dreg:$0x0]  }
0x2: {  	s4 =	rddreg [dreg:$0x1];
	s1 =	stileid.u32  }
0x3: {  	s0 =	srdreg.scid;
	s7 =	smul.u32 $0x14000, s1  }
0x4: {  	s2 =	rddreg [dreg:$0x2];
	s3 =	simm.s32 $0x0;
	s30 =	smul.u32 $0x50000, s1  }
0x5: {  	s5 =	sand.u32 $0x1, s0;
	s0 =	rddreg [dreg:$0x3];
	s11 =	smul.u32 $0x2800, s1  }
0x6: {  	s14 =	simm.s32 $0x80;
	[smem:$0x7FF] =	sst s3;
	s6 =	smul.u32 $0x140000, s5  }
0x7: {  	s15 =	sshll.u32 s1, $0x6;
	s8 =	ssub.s32 $0x2, s5;
	s10 =	smul.u32 $0x28000, s5  }
0x8: {  	_ =	strace $0x80000047;
	s15 =	sor.u32 $0x1C01, s15;
	s31 =	sshrl.u32 s8, $0x1  }
0x9: {  	s6 =	sadd.s32 s7, s6;
	s7 =	sshrl.u32 s30, $0x2;
	s10 =	sadd.s32 s11, s10  }
0xa: {  	s13 =	ssub.s32 s8, s31;
	s6 =	sshrl.u32 s6, $0x3;
	s10 =	sshrl.u32 s10, $0x3  }
0xb: {  	s11 =	smax.u32 s13, $0x1;
	s12 =	sadd.s32 s6, s4;
	s4 =	sadd.s32 s7, s2  }
0xc: {  	s13 =	simm.s32 $0x1;
	s9 =	sadd.s32 s9, s10;
	s5 =	sadd.s32 $0x4000, s4  }
0xd: {  	s6 =	sadd.s32 $0x8000, s4;
	s7 =	sadd.s32 $0xC000, s4;
	s8 =	sadd.s32 $0x10000, s4  }
0xe: {  	v0 =	vimm.f32 $0.0e+00;
	v1 =	vimm.f32 $1.000000000e+00;
	s10 =	sadd.s32 $0x1E00, s12;
	s12 =	simm.s32 $0x2800;
	s16 =	sshrl.u32 s4, $0x3  }
.LBB2_1:
0xf: {  	s17 =	simm.s32 $0x200;
	s18 =	simm.s32 $0x0  }
.LBB2_2:
0x10: {  	p0 =	sne.s32 s17, $0xFE00;
	[tilespmem:s18+$0x2800] =	vst v0;
	s18 =	smov.u32 s17;
	s17 =	sadd.s32 $0x200, s17  }
.Ltmp0:
0x11: {  	(pc) =	sbr.rel @p0 .LBB2_2-.Ltmp0, $2  }
0x12: {  	_ =	sdelay $0x2  }
0x13: {  	s18 =	sshra.s32 s18, $0x2  }
0x14: {  	[tilespmem:s18+$0x2800] =	vst v0  }
0x15: {  	[spmem:s4] =	stream.linear.scatter [tilespmem:s12], [sflag:$0x1], $0x4000, $0x38;
	[tilespmem:$0x9000] =	vst v63  }
0x16: {  	_ =	swait.ge [sflag:s13], $0x4000  }
0x17: {  	[sflag:s13] =	ssyncset.done $0x0  }
0x18: {  	[sflag:s13] =	ssyncadd.s32 $0xFFFFC000  }
0x19: {  	[spmem:s5] =	stream.linear.scatter [tilespmem:s12], [sflag:$0x1], $0x4000, $0x38;
	[tilespmem:$0x9000] =	vst v63  }
0x1a: {  	_ =	swait.ge [sflag:s13], $0x4000  }
0x1b: {  	[sflag:s13] =	ssyncset.done $0x0  }
0x1c: {  	[sflag:s13] =	ssyncadd.s32 $0xFFFFC000  }
0x1d: {  	[spmem:s6] =	stream.linear.scatter [tilespmem:s12], [sflag:$0x1], $0x4000, $0x38;
	[tilespmem:$0x9000] =	vst v63  }
0x1e: {  	_ =	swait.ge [sflag:s13], $0x4000  }
0x1f: {  	[sflag:s13] =	ssyncset.done $0x0  }
0x20: {  	[sflag:s13] =	ssyncadd.s32 $0xFFFFC000  }
0x21: {  	[spmem:s7] =	stream.linear.scatter [tilespmem:s12], [sflag:$0x1], $0x4000, $0x38;
	[tilespmem:$0x9000] =	vst v63  }
0x22: {  	_ =	swait.ge [sflag:s13], $0x4000  }
0x23: {  	[sflag:s13] =	ssyncset.done $0x0  }
0x24: {  	[sflag:s13] =	ssyncadd.s32 $0xFFFFC000  }
0x25: {  	[spmem:s8] =	stream.linear.scatter [tilespmem:s12], [sflag:$0x1], $0x4000, $0x38;
	[tilespmem:$0x9000] =	vst v63  }
0x26: {  	_ =	swait.ge [sflag:s13], $0x4000  }
0x27: {  	[sflag:s13] =	ssyncset.done $0x0  }
0x28: {  	s17 =	simm.s32 $0x200;
	s18 =	simm.s32 $0x0;
	[sflag:s13] =	ssyncadd.s32 $0xFFFFC000  }
.LBB2_4:
0x29: {  	p0 =	sne.s32 s17, $0xFE00;
	[tilespmem:s18+$0x2800] =	vst v1;
	s18 =	smov.u32 s17;
	s17 =	sadd.s32 $0x200, s17  }
.Ltmp1:
0x2a: {  	(pc) =	sbr.rel @p0 .LBB2_4-.Ltmp1, $2  }
0x2b: {  	_ =	sdelay $0x2  }
0x2c: {  	s18 =	sshra.s32 s18, $0x2  }
0x2d: {  	[tilespmem:s18+$0x2800] =	vst v1;
	s17 =	simm.s32 $0x0  }
0x2e: {  	[tilespmem:s17], [sflag:$0x1] =	stream.linear.gather [hbm4b:s9+s17], $0x2780, $0x38;
	[tilespmem:$0x9000] =	vst v63  }
0x2f: {  	_ =	swait.ge [sflag:s13], $0x2780  }
0x30: {  	[sflag:s13] =	ssyncset.done $0x0  }
0x31: {  	[sflag:s13] =	ssyncadd.s32 $0xFFFFD880  }
0x32: {  	s31 =	simm.s32 $0x0;
	[bflag:$0x0] =	sbarrier.arrive $0xFFFF  }
0x33: {  	[spmem:s2] =	stream.indirect.scatter.add.f32 [tilespmem:s12], [sflag:$0x1], $0x10, s31, s14, $0xb8;
	[tilespmem:$0x9000] =	vst v63  }
0x34: {  	_ =	swait.ge [sflag:s13], $0x800  }
0x35: {  	s17 =	simm.s32 $0x200;
	[sflag:s13] =	ssyncset.done $0x0  }
.LBB2_6:
0x36: {  	s18 =	sshra.s32 s17, $0x2;
	[sflag:s13] =	ssyncadd.s32 $0xFFFFF800;
	p0 =	sne.s32 s17, $0x9C00  }
0x37: {  	[spmem:s2] =	stream.indirect.scatter.add.f32 [tilespmem:s12], [sflag:$0x1], $0x10, s18, s14, $0xb8;
	[tilespmem:$0x9000] =	vst v63  }
.Ltmp2:
0x38: {  	_ = 	snop;
	(pc) =	sbr.rel @p0 .LBB2_6-.Ltmp2, $4  }
0x39: {  	_ = 	snop  }
0x3a: {  	s17 =	sadd.s32 $0x200, s17  }
0x3b: {  	_ =	swait.ge [sflag:s13], $0x800  }
0x3c: {  	[sflag:s13] =	ssyncset.done $0x0  }
0x3d: {  	s3 =	sadd.s32 $0x1, s3  }
0x3e: {  	[sflag:s13] =	ssyncadd.s32 $0xFFFFF800;
	p0 =	sne.s32 s3, s11  }
.Ltmp3:
0x3f: {  	[bflag:$0x0] =	sbarrier.arrive $0xFFFF;
	(pc) =	sbr.rel @p0 .LBB2_1-.Ltmp3, $4  }
0x40: {  	[hbm:s10], [sflag:s15] =	dma.local [spmem:s16], $0x2800  }
0x41: {  	_ =	swait.ge [sflag:s13], $0x2800  }
0x42: {  	[sflag:s13] =	ssyncset.done $0x0  }
0x43: {  	[sflag:s13] =	ssyncadd.s32 $0xFFFFD800  }
0x44: {  	_ =	sfence.sel $0x180000  }
0x45: {  	[bflag:$0x0] =	sbarrier.arrive $0xFFFF  }
0x46: {  	p0 =	sne.s32 s1, $0x0;
	_ =	strace $0x90000047  }
0x47: {  	s0 =	sadd.s32 @!p0 $0x100000, s0;
	[bflag:$0x2] =	sbarrier.arrive $0xFFFF  }
0x48: {  	[sflag:s0] =	ssyncadd.tile.s32 @!p0 $0x1;
	_ =	shalt  }
.Lfunc_end2:
_tile_overlayer_lowered:
.L_overlay_start_2:
0x49: {  	(tag) =	ssettag $0x2  }
0x4a: {  	s0 =	rddreg [dreg:$0x0];
	s2 =	stileid.u32  }
0x4b: {  	s1 =	rddreg [dreg:$0x1];
	p0 =	sne.s32 s2, $0x0  }
0x4c: {  	s3 =	rddreg [dreg:$0x2];
	[bflag:$0x3] =	sbarrier.arrive $0xFFFF;
	s2 =	simm.s32 @!p0 $0x1C01  }
0x4d: {  	[timem:s3], [sflag:s2] =	dma.local @!p0 [hbm:s0], s1  }
0x4e: {  	s0 =	simm.s32 @!p0 $0x1  }
0x4f: {  	_ =	swait.ge @!p0 [sflag:s0], s1  }
0x50: {  	s1 =	ssub.s32 @!p0 $0x0, s1;
	[sflag:s0] =	ssyncset.done @!p0 $0x0  }
0x51: {  	[sflag:s0] =	ssyncadd.s32 @!p0 s1  }
0x52: {  	[bflag:$0x3] =	sbarrier.arrive $0xFFFF  }
0x53: {  	_ =	shalt  }

</sc_bundles>
